<compile_context>
chip_gen: v7x
topology: tpu7x:2x2x1
jax: 0.10.2.dev20260603
libtpu: 0.0.44.dev20260713+nightly
codegen_flags: <defaults>
</compile_context>

<pallas_src>
import functools

import jax
import jax.numpy as jnp
from jax import lax
from jax.experimental import pallas as pl
from jax.experimental.pallas import tpu as pltpu
from jax.experimental.pallas import tpu_sc as plsc

BLANK = 0
LANES = 16
IDX_MINOR = 128


def _decoder_sc_kernel(b_per_w, n_chunks, num_cores):
    def body(table_hbm, idxh_hbm, idx_hbm, conv_hbm, scale_hbm, out_hbm,
             idxh_v, idx_v, rows_v, out_v, conv_v, scale_v, sem):
        wid = lax.axis_index("s") * num_cores + lax.axis_index("c")

        pltpu.sync_copy(idxh_hbm.at[pl.ds(wid * n_chunks, n_chunks)], idxh_v)
        pltpu.sync_copy(idx_hbm.at[pl.ds(wid * n_chunks, n_chunks)], idx_v)
        pltpu.sync_copy(conv_hbm, conv_v)
        pltpu.sync_copy(scale_hbm, scale_v)

        s = jnp.exp(scale_v[...])
        w0 = [conv_v[0, pl.ds(k * LANES, LANES)] * s for k in range(4)]
        w1 = [conv_v[1, pl.ds(k * LANES, LANES)] * s for k in range(4)]
        zero = jnp.zeros((LANES,), jnp.float32)
        iota = lax.iota(jnp.int32, LANES)

        half_chunks = n_chunks // 2
        half_rows = b_per_w // 2
        half_packed = half_rows // 2

        for p in range(2):
            copies = [
                pltpu.async_copy(
                    table_hbm.at[idxh_v.at[p * half_chunks + c]],
                    rows_v.at[pl.ds(c * IDX_MINOR, IDX_MINOR)],
                    sem,
                )
                for c in range(half_chunks)
            ]
            for cp in copies:
                cp.wait()

            def row_body(m, carry):
                for t in range(2):
                    nl = lax.shift_left(m, 1) + t
                    ng = p * half_rows + nl
                    j0 = lax.shift_left(nl, 1)
                    c0 = lax.shift_right_logical(ng, 6)
                    l0 = lax.shift_left(jnp.bitwise_and(ng, 63), 1)
                    cvec = jnp.full((LANES,), c0, jnp.int32)
                    i0 = plsc.load_gather(
                        idx_v, [cvec, jnp.full((LANES,), l0, jnp.int32)])
                    i1 = plsc.load_gather(
                        idx_v, [cvec, jnp.full((LANES,), l0 + 1, jnp.int32)])
                    m0 = i0 != BLANK
                    m1 = i1 != BLANK
                    h0 = lax.shift_left(jnp.bitwise_and(i0, 1), 6) + iota
                    h1 = lax.shift_left(jnp.bitwise_and(i1, 1), 6) + iota
                    r0 = jnp.full((LANES,), j0, jnp.int32)
                    r1 = jnp.full((LANES,), j0 + 1, jnp.int32)
                    for k in range(4):
                        v0 = plsc.load_gather(rows_v, [r0, h0 + k * LANES])
                        v1 = plsc.load_gather(rows_v, [r1, h1 + k * LANES])
                        acc = (jnp.where(m0, v0, zero) * w0[k]
                               + jnp.where(m1, v1, zero) * w1[k])
                        out_v[p * half_packed + m,
                              pl.ds(t * 64 + k * LANES, LANES)] = (
                            jnp.maximum(acc, zero))
                return carry

            lax.fori_loop(0, half_packed, row_body, 0, unroll=2)

        pltpu.sync_copy(
            out_v, out_hbm.at[pl.ds(wid * (b_per_w // 2), b_per_w // 2)])

    return body


@jax.jit
def kernel(y, emb_weight, emb_scale, conv_weight, conv_scale):
    batch, ctx = y.shape
    vocab, dim = emb_weight.shape
    assert ctx == 2 and dim == 64 and vocab % 2 == 0

    info = plsc.get_sparse_core_info()
    nw = info.num_cores * info.num_subcores
    b_per_w = batch // nw
    assert batch == nw * b_per_w and (2 * b_per_w) % (2 * IDX_MINOR) == 0
    n_chunks = (2 * b_per_w) // IDX_MINOR

    table2 = emb_weight.reshape(vocab // 2, 2 * dim)
    idx2d = y.reshape(nw * n_chunks, IDX_MINOR)
    idxh2d = lax.shift_right_logical(idx2d, 1)
    conv2 = jnp.transpose(conv_weight[:, 0, :])
    scale = jnp.full((LANES,), emb_scale + conv_scale, jnp.float32)

    mesh = plsc.VectorSubcoreMesh(core_axis_name="c", subcore_axis_name="s")
    run = functools.partial(
        pl.kernel,
        out_type=jax.ShapeDtypeStruct((batch // 2, 2 * dim), jnp.float32),
        mesh=mesh,
        compiler_params=pltpu.CompilerParams(
            needs_layout_passes=False, use_tc_tiling_on_sc=True),
        scratch_types=[
            pltpu.VMEM((n_chunks, IDX_MINOR), jnp.int32),
            pltpu.VMEM((n_chunks, IDX_MINOR), jnp.int32),
            pltpu.VMEM((b_per_w, 2 * dim), jnp.float32),
            pltpu.VMEM((b_per_w // 2, 2 * dim), jnp.float32),
            pltpu.VMEM((2, dim), jnp.float32),
            pltpu.VMEM((LANES,), jnp.float32),
            pltpu.SemaphoreType.DMA,
        ],
    )(_decoder_sc_kernel(b_per_w, n_chunks, info.num_cores))
    out = run(table2, idxh2d, idx2d, conv2, scale)
    return out.reshape(batch, 1, dim)

# --- scband reference (transcript-rebuilt; emitter-appended) ---
"""Pipeline reference for scband-decoder-86517821214585 (READ-ONLY COPY).

The authoritative reference and input builder live on the scoring server;
editing this copy changes nothing except your own understanding.
"""

import jax, jax.numpy as jnp
import numpy as np

VOCAB = 1000000
DIM = 64
BLANK = 0
CTX = 2
BATCH = 16384


def setup_inputs(seed: int = 0) -> dict:
    key = jax.random.key(seed)
    k1, k2, k3 = jax.random.split(key, 3)
    y = jax.random.randint(k1, (BATCH, CTX), 0, VOCAB, dtype=jnp.int32)
    emb_weight = jax.random.normal(k2, (VOCAB, DIM), dtype=jnp.float32) * 0.05
    emb_scale = jnp.zeros((), dtype=jnp.float32)  # ScaledEmbedding log-scale (exp(0)=1)
    conv_weight = jax.random.normal(k3, (DIM, 1, CTX), dtype=jnp.float32) * 0.1  # depthwise: (C_out, C_in/groups=1, K)
    conv_scale = jnp.zeros((), dtype=jnp.float32)  # ScaledConv1d log-scale
    return {"y": y, "emb_weight": emb_weight, "emb_scale": emb_scale, "conv_weight": conv_weight, "conv_scale": conv_scale}


def reference(y, emb_weight, emb_scale, conv_weight, conv_scale):
    # ScaledEmbedding: lookup with padding_idx=BLANK (row pinned to zero), times exp(scale)
    tab = emb_weight.at[BLANK].set(0.0)
    emb = jnp.take(tab, y, axis=0) * jnp.exp(emb_scale)  # (N, U, D)
    # context_size > 1 branch: permute to (N, D, U), depthwise Conv1d (groups=D, k=CTX, no pad, no bias)
    x = jnp.transpose(emb, (0, 2, 1))
    w = conv_weight * jnp.exp(conv_scale)
    out = jax.lax.conv_general_dilated(
        x, w,
        window_strides=(1,),
        padding='VALID',
        dimension_numbers=('NCH', 'OIH', 'NCH'),
        feature_group_count=DIM,
    )  # (N, D, U-CTX+1) = (N, D, 1)
    out = jnp.transpose(out, (0, 2, 1))  # (N, 1, D)
    return jax.nn.relu(out)

if __name__ == "__main__":
    import jax
    _d = setup_inputs()
    print(jax.jit(kernel)(*tuple(_d.values())))

</pallas_src>

<mosaic_0001>
#map = affine_map<(d0, d1) -> (0, 0)>
#map1 = affine_map<(d0, d1) -> (0)>
module attributes {stable_mosaic.version = 14 : i64} {
  func.func @body(%arg0: i32, %arg1: i32, %arg2: memref<500000x128xf32, #tpu.memory_space<hbm>>, %arg3: memref<256x128xi32, #tpu.memory_space<hbm>>, %arg4: memref<256x128xi32, #tpu.memory_space<hbm>>, %arg5: memref<2x64xf32, #tpu.memory_space<hbm>>, %arg6: memref<16xf32, #tpu.memory_space<hbm>>, %arg7: memref<8192x128xf32, #tpu.memory_space<hbm>>, %arg8: memref<8x128xi32, #tpu.memory_space<vmem>>, %arg9: memref<8x128xi32, #tpu.memory_space<vmem>>, %arg10: memref<512x128xf32, #tpu.memory_space<vmem>>, %arg11: memref<256x128xf32, #tpu.memory_space<vmem>>, %arg12: memref<2x64xf32, #tpu.memory_space<vmem>>, %arg13: memref<16xf32, #tpu.memory_space<vmem>>, %arg14: memref<!tpu.dma_semaphore, #tpu.memory_space<semaphore_mem>>) attributes {dimension_semantics = [#tpu.dimension_semantics<core_parallel>, #tpu.dimension_semantics<subcore_parallel>], iteration_bounds = array<i64: 2, 16>, scalar_prefetch = 0 : i64, scratch_operands = 7 : i64, tpu.core_type = #tpu.core_type<sc_vector_subcore>, window_params = [{transform_indices = #map}, {transform_indices = #map}, {transform_indices = #map}, {transform_indices = #map}, {transform_indices = #map1}, {transform_indices = #map}]} {
    %mul3A = arith.constant 2 : i32
    %mul3A_0 = arith.muli %arg1, %mul3A : i32
    %add3A = arith.addi %mul3A_0, %arg0 : i32
    %mul3A_1 = arith.constant 8 : i32
    %mul3A_2 = arith.muli %add3A, %mul3A_1 : i32
    "tpu.region"() ({
      %run_scoped3A = tpu.sem_alloc : memref<!tpu.dma_semaphore, #tpu.memory_space<semaphore_mem>>
      %dma_start3A_218 = arith.constant 0 : i32
      %dma_start3A_219 = tpu.memref_slice %arg3[%mul3A_2, %dma_start3A_218] : memref<256x128xi32, #tpu.memory_space<hbm>> -> memref<8x128xi32, #tpu.memory_space<hbm>>
      %dma_start3A_220 = arith.constant 0 : i32
      %dma_start3A_221 = tpu.memref_slice %arg3[%mul3A_2, %dma_start3A_220] : memref<256x128xi32, #tpu.memory_space<hbm>> -> memref<8x128xi32, #tpu.memory_space<hbm>>
      tpu.enqueue_dma source(%dma_start3A_221 : memref<8x128xi32, #tpu.memory_space<hbm>>) target(%arg8 : memref<8x128xi32, #tpu.memory_space<vmem>>) target_semaphore(%run_scoped3A : memref<!tpu.dma_semaphore, #tpu.memory_space<semaphore_mem>>)
      %dma_wait3A_222 = arith.constant 0 : i32
      %dma_wait3A_223 = tpu.memref_slice %arg3[%mul3A_2, %dma_wait3A_222] : memref<256x128xi32, #tpu.memory_space<hbm>> -> memref<8x128xi32, #tpu.memory_space<hbm>>
      %dma_wait3A_224 = arith.constant 0 : i32
      %dma_wait3A_225 = tpu.memref_slice %arg3[%mul3A_2, %dma_wait3A_224] : memref<256x128xi32, #tpu.memory_space<hbm>> -> memref<8x128xi32, #tpu.memory_space<hbm>>
      tpu.wait_dma2 semaphore(%run_scoped3A : memref<!tpu.dma_semaphore, #tpu.memory_space<semaphore_mem>>) src(%dma_wait3A_225 : memref<8x128xi32, #tpu.memory_space<hbm>>) dst(%arg8 : memref<8x128xi32, #tpu.memory_space<vmem>>)
      tpu.yield
    }) : () -> ()
    %mul3A_3 = arith.constant 8 : i32
    %mul3A_4 = arith.muli %add3A, %mul3A_3 : i32
    "tpu.region"() ({
      %run_scoped3A = tpu.sem_alloc : memref<!tpu.dma_semaphore, #tpu.memory_space<semaphore_mem>>
      %dma_start3A_218 = arith.constant 0 : i32
      %dma_start3A_219 = tpu.memref_slice %arg4[%mul3A_4, %dma_start3A_218] : memref<256x128xi32, #tpu.memory_space<hbm>> -> memref<8x128xi32, #tpu.memory_space<hbm>>
      %dma_start3A_220 = arith.constant 0 : i32
      %dma_start3A_221 = tpu.memref_slice %arg4[%mul3A_4, %dma_start3A_220] : memref<256x128xi32, #tpu.memory_space<hbm>> -> memref<8x128xi32, #tpu.memory_space<hbm>>
      tpu.enqueue_dma source(%dma_start3A_221 : memref<8x128xi32, #tpu.memory_space<hbm>>) target(%arg9 : memref<8x128xi32, #tpu.memory_space<vmem>>) target_semaphore(%run_scoped3A : memref<!tpu.dma_semaphore, #tpu.memory_space<semaphore_mem>>)
      %dma_wait3A_222 = arith.constant 0 : i32
      %dma_wait3A_223 = tpu.memref_slice %arg4[%mul3A_4, %dma_wait3A_222] : memref<256x128xi32, #tpu.memory_space<hbm>> -> memref<8x128xi32, #tpu.memory_space<hbm>>
      %dma_wait3A_224 = arith.constant 0 : i32
      %dma_wait3A_225 = tpu.memref_slice %arg4[%mul3A_4, %dma_wait3A_224] : memref<256x128xi32, #tpu.memory_space<hbm>> -> memref<8x128xi32, #tpu.memory_space<hbm>>
      tpu.wait_dma2 semaphore(%run_scoped3A : memref<!tpu.dma_semaphore, #tpu.memory_space<semaphore_mem>>) src(%dma_wait3A_225 : memref<8x128xi32, #tpu.memory_space<hbm>>) dst(%arg9 : memref<8x128xi32, #tpu.memory_space<vmem>>)
      tpu.yield
    }) : () -> ()
    "tpu.region"() ({
      %run_scoped3A = tpu.sem_alloc : memref<!tpu.dma_semaphore, #tpu.memory_space<semaphore_mem>>
      tpu.enqueue_dma source(%arg5 : memref<2x64xf32, #tpu.memory_space<hbm>>) target(%arg12 : memref<2x64xf32, #tpu.memory_space<vmem>>) target_semaphore(%run_scoped3A : memref<!tpu.dma_semaphore, #tpu.memory_space<semaphore_mem>>)
      tpu.wait_dma2 semaphore(%run_scoped3A : memref<!tpu.dma_semaphore, #tpu.memory_space<semaphore_mem>>) src(%arg5 : memref<2x64xf32, #tpu.memory_space<hbm>>) dst(%arg12 : memref<2x64xf32, #tpu.memory_space<vmem>>)
      tpu.yield
    }) : () -> ()
    "tpu.region"() ({
      %run_scoped3A = tpu.sem_alloc : memref<!tpu.dma_semaphore, #tpu.memory_space<semaphore_mem>>
      tpu.enqueue_dma source(%arg6 : memref<16xf32, #tpu.memory_space<hbm>>) target(%arg13 : memref<16xf32, #tpu.memory_space<vmem>>) target_semaphore(%run_scoped3A : memref<!tpu.dma_semaphore, #tpu.memory_space<semaphore_mem>>)
      tpu.wait_dma2 semaphore(%run_scoped3A : memref<!tpu.dma_semaphore, #tpu.memory_space<semaphore_mem>>) src(%arg6 : memref<16xf32, #tpu.memory_space<hbm>>) dst(%arg13 : memref<16xf32, #tpu.memory_space<vmem>>)
      tpu.yield
    }) : () -> ()
    %get3A = arith.constant 0 : index
    %get3A_5 = tpu.vector_load %arg13[%get3A] {strides = array<i32>} : memref<16xf32, #tpu.memory_space<vmem>>, vector<16xf32>,
    %exp3A = math.exp %get3A_5 : vector<16xf32>
    %get3A_6 = arith.constant 0 : i32
    %get3A_7 = arith.index_cast %get3A_6 : i32 to index
    %get3A_8 = arith.constant 0 : index
    %get3A_9 = tpu.vector_load %arg12[%get3A_7, %get3A_8] {strides = array<i32>} : memref<2x64xf32, #tpu.memory_space<vmem>>, vector<16xf32>,
    %mul3A_10 = arith.mulf %get3A_9, %exp3A : vector<16xf32>
    %get3A_11 = arith.constant 0 : i32
    %get3A_12 = arith.index_cast %get3A_11 : i32 to index
    %get3A_13 = arith.constant 16 : index
    %get3A_14 = tpu.vector_load %arg12[%get3A_12, %get3A_13] {strides = array<i32>} : memref<2x64xf32, #tpu.memory_space<vmem>>, vector<16xf32>,
    %mul3A_15 = arith.mulf %get3A_14, %exp3A : vector<16xf32>
    %get3A_16 = arith.constant 0 : i32
    %get3A_17 = arith.index_cast %get3A_16 : i32 to index
    %get3A_18 = arith.constant 32 : index
    %get3A_19 = tpu.vector_load %arg12[%get3A_17, %get3A_18] {strides = array<i32>} : memref<2x64xf32, #tpu.memory_space<vmem>>, vector<16xf32>,
    %mul3A_20 = arith.mulf %get3A_19, %exp3A : vector<16xf32>
    %get3A_21 = arith.constant 0 : i32
    %get3A_22 = arith.index_cast %get3A_21 : i32 to index
    %get3A_23 = arith.constant 48 : index
    %get3A_24 = tpu.vector_load %arg12[%get3A_22, %get3A_23] {strides = array<i32>} : memref<2x64xf32, #tpu.memory_space<vmem>>, vector<16xf32>,
    %mul3A_25 = arith.mulf %get3A_24, %exp3A : vector<16xf32>
    %get3A_26 = arith.constant 1 : i32
    %get3A_27 = arith.index_cast %get3A_26 : i32 to index
    %get3A_28 = arith.constant 0 : index
    %get3A_29 = tpu.vector_load %arg12[%get3A_27, %get3A_28] {strides = array<i32>} : memref<2x64xf32, #tpu.memory_space<vmem>>, vector<16xf32>,
    %mul3A_30 = arith.mulf %get3A_29, %exp3A : vector<16xf32>
    %get3A_31 = arith.constant 1 : i32
    %get3A_32 = arith.index_cast %get3A_31 : i32 to index
    %get3A_33 = arith.constant 16 : index
    %get3A_34 = tpu.vector_load %arg12[%get3A_32, %get3A_33] {strides = array<i32>} : memref<2x64xf32, #tpu.memory_space<vmem>>, vector<16xf32>,
    %mul3A_35 = arith.mulf %get3A_34, %exp3A : vector<16xf32>
    %get3A_36 = arith.constant 1 : i32
    %get3A_37 = arith.index_cast %get3A_36 : i32 to index
    %get3A_38 = arith.constant 32 : index
    %get3A_39 = tpu.vector_load %arg12[%get3A_37, %get3A_38] {strides = array<i32>} : memref<2x64xf32, #tpu.memory_space<vmem>>, vector<16xf32>,
    %mul3A_40 = arith.mulf %get3A_39, %exp3A : vector<16xf32>
    %get3A_41 = arith.constant 1 : i32
    %get3A_42 = arith.index_cast %get3A_41 : i32 to index
    %get3A_43 = arith.constant 48 : index
    %get3A_44 = tpu.vector_load %arg12[%get3A_42, %get3A_43] {strides = array<i32>} : memref<2x64xf32, #tpu.memory_space<vmem>>, vector<16xf32>,
    %mul3A_45 = arith.mulf %get3A_44, %exp3A : vector<16xf32>
    %broadcast_in_dim3A = arith.constant 0.000000e+00 : f32
    %broadcast_in_dim3A_46 = vector.broadcast %broadcast_in_dim3A : f32 to vector<16xf32>
    %iota3A = tpu.iota {dimensions = array<i32: 0>} : vector<16xi32>
    %dma_start3A = arith.constant 0 : i32
    %dma_start3A_47 = arith.constant 0 : i32
    %dma_start3A_48 = arith.constant 0 : i32
    %dma_start3A_49 = tpu.memref_slice %arg10[%dma_start3A_47, %dma_start3A_48] : memref<512x128xf32, #tpu.memory_space<vmem>> -> memref<128x128xf32, #tpu.memory_space<vmem>>
    %dma_start3A_50 = arith.constant 0 : i32
    %dma_start3A_51 = tpu.memref_slice %arg8[%dma_start3A, %dma_start3A_50] : memref<8x128xi32, #tpu.memory_space<vmem>> -> memref<1x128xi32, #tpu.memory_space<vmem>>
    %dma_start3A_52 = tpu.memref_squeeze %dma_start3A_51 : memref<1x128xi32, #tpu.memory_space<vmem>> -> memref<128xi32, #tpu.memory_space<vmem>>
    %dma_start3A_53 = arith.constant 0 : i32
    %dma_start3A_54 = arith.constant 0 : i32
    %dma_start3A_55 = tpu.memref_slice %arg2[%dma_start3A_53, %dma_start3A_54] : memref<500000x128xf32, #tpu.memory_space<hbm>> -> memref<500000x128xf32, #tpu.memory_space<hbm>>
    tpu.enqueue_indirect_dma source(%dma_start3A_55 : memref<500000x128xf32, #tpu.memory_space<hbm>>) target(%dma_start3A_49 : memref<128x128xf32, #tpu.memory_space<vmem>>) offsets(%dma_start3A_52 : memref<128xi32, #tpu.memory_space<vmem>>) semaphore(%arg14 : memref<!tpu.dma_semaphore, #tpu.memory_space<semaphore_mem>>)
    %dma_start3A_56 = arith.constant 1 : i32
    %dma_start3A_57 = arith.constant 128 : i32
    %dma_start3A_58 = arith.constant 0 : i32
    %dma_start3A_59 = tpu.memref_slice %arg10[%dma_start3A_57, %dma_start3A_58] : memref<512x128xf32, #tpu.memory_space<vmem>> -> memref<128x128xf32, #tpu.memory_space<vmem>>
    %dma_start3A_60 = arith.constant 0 : i32
    %dma_start3A_61 = tpu.memref_slice %arg8[%dma_start3A_56, %dma_start3A_60] : memref<8x128xi32, #tpu.memory_space<vmem>> -> memref<1x128xi32, #tpu.memory_space<vmem>>
    %dma_start3A_62 = tpu.memref_squeeze %dma_start3A_61 : memref<1x128xi32, #tpu.memory_space<vmem>> -> memref<128xi32, #tpu.memory_space<vmem>>
    %dma_start3A_63 = arith.constant 0 : i32
    %dma_start3A_64 = arith.constant 0 : i32
    %dma_start3A_65 = tpu.memref_slice %arg2[%dma_start3A_63, %dma_start3A_64] : memref<500000x128xf32, #tpu.memory_space<hbm>> -> memref<500000x128xf32, #tpu.memory_space<hbm>>
    tpu.enqueue_indirect_dma source(%dma_start3A_65 : memref<500000x128xf32, #tpu.memory_space<hbm>>) target(%dma_start3A_59 : memref<128x128xf32, #tpu.memory_space<vmem>>) offsets(%dma_start3A_62 : memref<128xi32, #tpu.memory_space<vmem>>) semaphore(%arg14 : memref<!tpu.dma_semaphore, #tpu.memory_space<semaphore_mem>>)
    %dma_start3A_66 = arith.constant 2 : i32
    %dma_start3A_67 = arith.constant 256 : i32
    %dma_start3A_68 = arith.constant 0 : i32
    %dma_start3A_69 = tpu.memref_slice %arg10[%dma_start3A_67, %dma_start3A_68] : memref<512x128xf32, #tpu.memory_space<vmem>> -> memref<128x128xf32, #tpu.memory_space<vmem>>
    %dma_start3A_70 = arith.constant 0 : i32
    %dma_start3A_71 = tpu.memref_slice %arg8[%dma_start3A_66, %dma_start3A_70] : memref<8x128xi32, #tpu.memory_space<vmem>> -> memref<1x128xi32, #tpu.memory_space<vmem>>
    %dma_start3A_72 = tpu.memref_squeeze %dma_start3A_71 : memref<1x128xi32, #tpu.memory_space<vmem>> -> memref<128xi32, #tpu.memory_space<vmem>>
    %dma_start3A_73 = arith.constant 0 : i32
    %dma_start3A_74 = arith.constant 0 : i32
    %dma_start3A_75 = tpu.memref_slice %arg2[%dma_start3A_73, %dma_start3A_74] : memref<500000x128xf32, #tpu.memory_space<hbm>> -> memref<500000x128xf32, #tpu.memory_space<hbm>>
    tpu.enqueue_indirect_dma source(%dma_start3A_75 : memref<500000x128xf32, #tpu.memory_space<hbm>>) target(%dma_start3A_69 : memref<128x128xf32, #tpu.memory_space<vmem>>) offsets(%dma_start3A_72 : memref<128xi32, #tpu.memory_space<vmem>>) semaphore(%arg14 : memref<!tpu.dma_semaphore, #tpu.memory_space<semaphore_mem>>)
    %dma_start3A_76 = arith.constant 3 : i32
    %dma_start3A_77 = arith.constant 384 : i32
    %dma_start3A_78 = arith.constant 0 : i32
    %dma_start3A_79 = tpu.memref_slice %arg10[%dma_start3A_77, %dma_start3A_78] : memref<512x128xf32, #tpu.memory_space<vmem>> -> memref<128x128xf32, #tpu.memory_space<vmem>>
    %dma_start3A_80 = arith.constant 0 : i32
    %dma_start3A_81 = tpu.memref_slice %arg8[%dma_start3A_76, %dma_start3A_80] : memref<8x128xi32, #tpu.memory_space<vmem>> -> memref<1x128xi32, #tpu.memory_space<vmem>>
    %dma_start3A_82 = tpu.memref_squeeze %dma_start3A_81 : memref<1x128xi32, #tpu.memory_space<vmem>> -> memref<128xi32, #tpu.memory_space<vmem>>
    %dma_start3A_83 = arith.constant 0 : i32
    %dma_start3A_84 = arith.constant 0 : i32
    %dma_start3A_85 = tpu.memref_slice %arg2[%dma_start3A_83, %dma_start3A_84] : memref<500000x128xf32, #tpu.memory_space<hbm>> -> memref<500000x128xf32, #tpu.memory_space<hbm>>
    tpu.enqueue_indirect_dma source(%dma_start3A_85 : memref<500000x128xf32, #tpu.memory_space<hbm>>) target(%dma_start3A_79 : memref<128x128xf32, #tpu.memory_space<vmem>>) offsets(%dma_start3A_82 : memref<128xi32, #tpu.memory_space<vmem>>) semaphore(%arg14 : memref<!tpu.dma_semaphore, #tpu.memory_space<semaphore_mem>>)
    %dma_wait3A = arith.constant 0 : i32
    %dma_wait3A_86 = arith.constant 0 : i32
    %dma_wait3A_87 = arith.constant 0 : i32
    %dma_wait3A_88 = tpu.memref_slice %arg10[%dma_wait3A_86, %dma_wait3A_87] : memref<512x128xf32, #tpu.memory_space<vmem>> -> memref<128x128xf32, #tpu.memory_space<vmem>>
    %dma_wait3A_89 = arith.constant 0 : i32
    %dma_wait3A_90 = tpu.memref_slice %arg8[%dma_wait3A, %dma_wait3A_89] : memref<8x128xi32, #tpu.memory_space<vmem>> -> memref<1x128xi32, #tpu.memory_space<vmem>>
    %dma_wait3A_91 = tpu.memref_squeeze %dma_wait3A_90 : memref<1x128xi32, #tpu.memory_space<vmem>> -> memref<128xi32, #tpu.memory_space<vmem>>
    %dma_wait3A_92 = arith.constant 0 : i32
    %dma_wait3A_93 = arith.constant 0 : i32
    %dma_wait3A_94 = tpu.memref_slice %arg2[%dma_wait3A_92, %dma_wait3A_93] : memref<500000x128xf32, #tpu.memory_space<hbm>> -> memref<500000x128xf32, #tpu.memory_space<hbm>>
    tpu.wait_indirect_dma semaphore(%arg14 : memref<!tpu.dma_semaphore, #tpu.memory_space<semaphore_mem>>) src(%dma_wait3A_94 : memref<500000x128xf32, #tpu.memory_space<hbm>>) dst(%dma_wait3A_88 : memref<128x128xf32, #tpu.memory_space<vmem>>)
    %dma_wait3A_95 = arith.constant 1 : i32
    %dma_wait3A_96 = arith.constant 128 : i32
    %dma_wait3A_97 = arith.constant 0 : i32
    %dma_wait3A_98 = tpu.memref_slice %arg10[%dma_wait3A_96, %dma_wait3A_97] : memref<512x128xf32, #tpu.memory_space<vmem>> -> memref<128x128xf32, #tpu.memory_space<vmem>>
    %dma_wait3A_99 = arith.constant 0 : i32
    %dma_wait3A_100 = tpu.memref_slice %arg8[%dma_wait3A_95, %dma_wait3A_99] : memref<8x128xi32, #tpu.memory_space<vmem>> -> memref<1x128xi32, #tpu.memory_space<vmem>>
    %dma_wait3A_101 = tpu.memref_squeeze %dma_wait3A_100 : memref<1x128xi32, #tpu.memory_space<vmem>> -> memref<128xi32, #tpu.memory_space<vmem>>
    %dma_wait3A_102 = arith.constant 0 : i32
    %dma_wait3A_103 = arith.constant 0 : i32
    %dma_wait3A_104 = tpu.memref_slice %arg2[%dma_wait3A_102, %dma_wait3A_103] : memref<500000x128xf32, #tpu.memory_space<hbm>> -> memref<500000x128xf32, #tpu.memory_space<hbm>>
    tpu.wait_indirect_dma semaphore(%arg14 : memref<!tpu.dma_semaphore, #tpu.memory_space<semaphore_mem>>) src(%dma_wait3A_104 : memref<500000x128xf32, #tpu.memory_space<hbm>>) dst(%dma_wait3A_98 : memref<128x128xf32, #tpu.memory_space<vmem>>)
    %dma_wait3A_105 = arith.constant 2 : i32
    %dma_wait3A_106 = arith.constant 256 : i32
    %dma_wait3A_107 = arith.constant 0 : i32
    %dma_wait3A_108 = tpu.memref_slice %arg10[%dma_wait3A_106, %dma_wait3A_107] : memref<512x128xf32, #tpu.memory_space<vmem>> -> memref<128x128xf32, #tpu.memory_space<vmem>>
    %dma_wait3A_109 = arith.constant 0 : i32
    %dma_wait3A_110 = tpu.memref_slice %arg8[%dma_wait3A_105, %dma_wait3A_109] : memref<8x128xi32, #tpu.memory_space<vmem>> -> memref<1x128xi32, #tpu.memory_space<vmem>>
    %dma_wait3A_111 = tpu.memref_squeeze %dma_wait3A_110 : memref<1x128xi32, #tpu.memory_space<vmem>> -> memref<128xi32, #tpu.memory_space<vmem>>
    %dma_wait3A_112 = arith.constant 0 : i32
    %dma_wait3A_113 = arith.constant 0 : i32
    %dma_wait3A_114 = tpu.memref_slice %arg2[%dma_wait3A_112, %dma_wait3A_113] : memref<500000x128xf32, #tpu.memory_space<hbm>> -> memref<500000x128xf32, #tpu.memory_space<hbm>>
    tpu.wait_indirect_dma semaphore(%arg14 : memref<!tpu.dma_semaphore, #tpu.memory_space<semaphore_mem>>) src(%dma_wait3A_114 : memref<500000x128xf32, #tpu.memory_space<hbm>>) dst(%dma_wait3A_108 : memref<128x128xf32, #tpu.memory_space<vmem>>)
    %dma_wait3A_115 = arith.constant 3 : i32
    %dma_wait3A_116 = arith.constant 384 : i32
    %dma_wait3A_117 = arith.constant 0 : i32
    %dma_wait3A_118 = tpu.memref_slice %arg10[%dma_wait3A_116, %dma_wait3A_117] : memref<512x128xf32, #tpu.memory_space<vmem>> -> memref<128x128xf32, #tpu.memory_space<vmem>>
    %dma_wait3A_119 = arith.constant 0 : i32
    %dma_wait3A_120 = tpu.memref_slice %arg8[%dma_wait3A_115, %dma_wait3A_119] : memref<8x128xi32, #tpu.memory_space<vmem>> -> memref<1x128xi32, #tpu.memory_space<vmem>>
    %dma_wait3A_121 = tpu.memref_squeeze %dma_wait3A_120 : memref<1x128xi32, #tpu.memory_space<vmem>> -> memref<128xi32, #tpu.memory_space<vmem>>
    %dma_wait3A_122 = arith.constant 0 : i32
    %dma_wait3A_123 = arith.constant 0 : i32
    %dma_wait3A_124 = tpu.memref_slice %arg2[%dma_wait3A_122, %dma_wait3A_123] : memref<500000x128xf32, #tpu.memory_space<hbm>> -> memref<500000x128xf32, #tpu.memory_space<hbm>>
    tpu.wait_indirect_dma semaphore(%arg14 : memref<!tpu.dma_semaphore, #tpu.memory_space<semaphore_mem>>) src(%dma_wait3A_124 : memref<500000x128xf32, #tpu.memory_space<hbm>>) dst(%dma_wait3A_118 : memref<128x128xf32, #tpu.memory_space<vmem>>)
    %scan3A = arith.constant 0 : i32
    %scan3A_125 = arith.constant 0 : i32
    %scan3A_126 = arith.constant 128 : i32
    %scan3A_127 = arith.addi %scan3A_125, %scan3A_126 : i32
    %scan3A_128 = arith.constant 2 : i32
    scf.for %scan3A_218 = %scan3A_125 to %scan3A_127 step %scan3A_128  : i32 {
      %shift_left3A = arith.constant 1 : i32
      %shift_left3A_219 = arith.shli %scan3A_218, %shift_left3A : i32
      %add3A_220 = arith.constant 0 : i32
      %add3A_221 = arith.addi %shift_left3A_219, %add3A_220 : i32
      %add3A_222 = arith.constant 0 : i32
      %add3A_223 = arith.addi %add3A_222, %add3A_221 : i32
      %shift_left3A_224 = arith.constant 1 : i32
      %shift_left3A_225 = arith.shli %add3A_221, %shift_left3A_224 : i32
      %shift_right_logical3A = arith.constant 6 : i32
      %shift_right_logical3A_226 = arith.shrui %add3A_223, %shift_right_logical3A : i32
      %and3A = arith.constant 63 : i32
      %and3A_227 = arith.andi %add3A_223, %and3A : i32
      %shift_left3A_228 = arith.constant 1 : i32
      %shift_left3A_229 = arith.shli %and3A_227, %shift_left3A_228 : i32
      %broadcast_in_dim3A_230 = vector.broadcast %shift_right_logical3A_226 : i32 to vector<16xi32>
      %broadcast_in_dim3A_231 = vector.broadcast %shift_left3A_229 : i32 to vector<16xi32>
      %gather3A = tpu.vector_load_idx %arg9[%broadcast_in_dim3A_230, %broadcast_in_dim3A_231] : memref<8x128xi32, #tpu.memory_space<vmem>>[vector<16xi32>, vector<16xi32>], vector<16xi32>,
      %add3A_232 = arith.constant 1 : i32
      %add3A_233 = arith.addi %shift_left3A_229, %add3A_232 : i32
      %broadcast_in_dim3A_234 = vector.broadcast %add3A_233 : i32 to vector<16xi32>
      %gather3A_235 = tpu.vector_load_idx %arg9[%broadcast_in_dim3A_230, %broadcast_in_dim3A_234] : memref<8x128xi32, #tpu.memory_space<vmem>>[vector<16xi32>, vector<16xi32>], vector<16xi32>,
      %ne3A = arith.constant 0 : i32
      %ne3A_236 = vector.broadcast %ne3A : i32 to vector<16xi32>
      %ne3A_237 = arith.cmpi ne, %gather3A, %ne3A_236 : vector<16xi32>
      %ne3A_238 = arith.constant 0 : i32
      %ne3A_239 = vector.broadcast %ne3A_238 : i32 to vector<16xi32>
      %ne3A_240 = arith.cmpi ne, %gather3A_235, %ne3A_239 : vector<16xi32>
      %and3A_241 = arith.constant 1 : i32
      %and3A_242 = vector.broadcast %and3A_241 : i32 to vector<16xi32>
      %and3A_243 = arith.andi %gather3A, %and3A_242 : vector<16xi32>
      %shift_left3A_244 = arith.constant 6 : i32
      %shift_left3A_245 = vector.broadcast %shift_left3A_244 : i32 to vector<16xi32>
      %shift_left3A_246 = arith.shli %and3A_243, %shift_left3A_245 : vector<16xi32>
      %add3A_247 = arith.addi %shift_left3A_246, %iota3A : vector<16xi32>
      %and3A_248 = arith.constant 1 : i32
      %and3A_249 = vector.broadcast %and3A_248 : i32 to vector<16xi32>
      %and3A_250 = arith.andi %gather3A_235, %and3A_249 : vector<16xi32>
      %shift_left3A_251 = arith.constant 6 : i32
      %shift_left3A_252 = vector.broadcast %shift_left3A_251 : i32 to vector<16xi32>
      %shift_left3A_253 = arith.shli %and3A_250, %shift_left3A_252 : vector<16xi32>
      %add3A_254 = arith.addi %shift_left3A_253, %iota3A : vector<16xi32>
      %broadcast_in_dim3A_255 = vector.broadcast %shift_left3A_225 : i32 to vector<16xi32>
      %add3A_256 = arith.constant 1 : i32
      %add3A_257 = arith.addi %shift_left3A_225, %add3A_256 : i32
      %broadcast_in_dim3A_258 = vector.broadcast %add3A_257 : i32 to vector<16xi32>
      %add3A_259 = arith.constant 0 : i32
      %add3A_260 = vector.broadcast %add3A_259 : i32 to vector<16xi32>
      %add3A_261 = arith.addi %add3A_247, %add3A_260 : vector<16xi32>
      %gather3A_262 = tpu.vector_load_idx %arg10[%broadcast_in_dim3A_255, %add3A_261] : memref<512x128xf32, #tpu.memory_space<vmem>>[vector<16xi32>, vector<16xi32>], vector<16xf32>,
      %add3A_263 = arith.constant 0 : i32
      %add3A_264 = vector.broadcast %add3A_263 : i32 to vector<16xi32>
      %add3A_265 = arith.addi %add3A_254, %add3A_264 : vector<16xi32>
      %gather3A_266 = tpu.vector_load_idx %arg10[%broadcast_in_dim3A_258, %add3A_265] : memref<512x128xf32, #tpu.memory_space<vmem>>[vector<16xi32>, vector<16xi32>], vector<16xf32>,
      %select_n3A = arith.select %ne3A_237, %gather3A_262, %broadcast_in_dim3A_46 : vector<16xi1>, vector<16xf32>
      %mul3A_267 = arith.mulf %select_n3A, %mul3A_10 : vector<16xf32>
      %select_n3A_268 = arith.select %ne3A_240, %gather3A_266, %broadcast_in_dim3A_46 : vector<16xi1>, vector<16xf32>
      %mul3A_269 = arith.mulf %select_n3A_268, %mul3A_30 : vector<16xf32>
      %add3A_270 = arith.addf %mul3A_267, %mul3A_269 : vector<16xf32>
      %max3A = arith.maximumf %add3A_270, %broadcast_in_dim3A_46 : vector<16xf32>
      %add3A_271 = arith.constant 0 : i32
      %add3A_272 = arith.addi %add3A_271, %scan3A_218 : i32
      %swap3A = arith.index_cast %add3A_272 : i32 to index
      %swap3A_273 = arith.constant 0 : index
      %swap3A_274 = tpu.vector_load %arg11[%swap3A, %swap3A_273] {strides = array<i32>} : memref<256x128xf32, #tpu.memory_space<vmem>>, vector<16xf32>,
      tpu.vector_store %arg11[%swap3A, %swap3A_273], %max3A {strides = array<i32>} : memref<256x128xf32, #tpu.memory_space<vmem>>, vector<16xf32>,
      %add3A_275 = arith.constant 16 : i32
      %add3A_276 = vector.broadcast %add3A_275 : i32 to vector<16xi32>
      %add3A_277 = arith.addi %add3A_247, %add3A_276 : vector<16xi32>
      %gather3A_278 = tpu.vector_load_idx %arg10[%broadcast_in_dim3A_255, %add3A_277] : memref<512x128xf32, #tpu.memory_space<vmem>>[vector<16xi32>, vector<16xi32>], vector<16xf32>,
      %add3A_279 = arith.constant 16 : i32
      %add3A_280 = vector.broadcast %add3A_279 : i32 to vector<16xi32>
      %add3A_281 = arith.addi %add3A_254, %add3A_280 : vector<16xi32>
      %gather3A_282 = tpu.vector_load_idx %arg10[%broadcast_in_dim3A_258, %add3A_281] : memref<512x128xf32, #tpu.memory_space<vmem>>[vector<16xi32>, vector<16xi32>], vector<16xf32>,
      %select_n3A_283 = arith.select %ne3A_237, %gather3A_278, %broadcast_in_dim3A_46 : vector<16xi1>, vector<16xf32>
      %mul3A_284 = arith.mulf %select_n3A_283, %mul3A_15 : vector<16xf32>
      %select_n3A_285 = arith.select %ne3A_240, %gather3A_282, %broadcast_in_dim3A_46 : vector<16xi1>, vector<16xf32>
      %mul3A_286 = arith.mulf %select_n3A_285, %mul3A_35 : vector<16xf32>
      %add3A_287 = arith.addf %mul3A_284, %mul3A_286 : vector<16xf32>
      %max3A_288 = arith.maximumf %add3A_287, %broadcast_in_dim3A_46 : vector<16xf32>
      %add3A_289 = arith.constant 0 : i32
      %add3A_290 = arith.addi %add3A_289, %scan3A_218 : i32
      %swap3A_291 = arith.index_cast %add3A_290 : i32 to index
      %swap3A_292 = arith.constant 16 : index
      %swap3A_293 = tpu.vector_load %arg11[%swap3A_291, %swap3A_292] {strides = array<i32>} : memref<256x128xf32, #tpu.memory_space<vmem>>, vector<16xf32>,
      tpu.vector_store %arg11[%swap3A_291, %swap3A_292], %max3A_288 {strides = array<i32>} : memref<256x128xf32, #tpu.memory_space<vmem>>, vector<16xf32>,
      %add3A_294 = arith.constant 32 : i32
      %add3A_295 = vector.broadcast %add3A_294 : i32 to vector<16xi32>
      %add3A_296 = arith.addi %add3A_247, %add3A_295 : vector<16xi32>
      %gather3A_297 = tpu.vector_load_idx %arg10[%broadcast_in_dim3A_255, %add3A_296] : memref<512x128xf32, #tpu.memory_space<vmem>>[vector<16xi32>, vector<16xi32>], vector<16xf32>,
      %add3A_298 = arith.constant 32 : i32
      %add3A_299 = vector.broadcast %add3A_298 : i32 to vector<16xi32>
      %add3A_300 = arith.addi %add3A_254, %add3A_299 : vector<16xi32>
      %gather3A_301 = tpu.vector_load_idx %arg10[%broadcast_in_dim3A_258, %add3A_300] : memref<512x128xf32, #tpu.memory_space<vmem>>[vector<16xi32>, vector<16xi32>], vector<16xf32>,
      %select_n3A_302 = arith.select %ne3A_237, %gather3A_297, %broadcast_in_dim3A_46 : vector<16xi1>, vector<16xf32>
      %mul3A_303 = arith.mulf %select_n3A_302, %mul3A_20 : vector<16xf32>
      %select_n3A_304 = arith.select %ne3A_240, %gather3A_301, %broadcast_in_dim3A_46 : vector<16xi1>, vector<16xf32>
      %mul3A_305 = arith.mulf %select_n3A_304, %mul3A_40 : vector<16xf32>
      %add3A_306 = arith.addf %mul3A_303, %mul3A_305 : vector<16xf32>
      %max3A_307 = arith.maximumf %add3A_306, %broadcast_in_dim3A_46 : vector<16xf32>
      %add3A_308 = arith.constant 0 : i32
      %add3A_309 = arith.addi %add3A_308, %scan3A_218 : i32
      %swap3A_310 = arith.index_cast %add3A_309 : i32 to index
      %swap3A_311 = arith.constant 32 : index
      %swap3A_312 = tpu.vector_load %arg11[%swap3A_310, %swap3A_311] {strides = array<i32>} : memref<256x128xf32, #tpu.memory_space<vmem>>, vector<16xf32>,
      tpu.vector_store %arg11[%swap3A_310, %swap3A_311], %max3A_307 {strides = array<i32>} : memref<256x128xf32, #tpu.memory_space<vmem>>, vector<16xf32>,
      %add3A_313 = arith.constant 48 : i32
      %add3A_314 = vector.broadcast %add3A_313 : i32 to vector<16xi32>
      %add3A_315 = arith.addi %add3A_247, %add3A_314 : vector<16xi32>
      %gather3A_316 = tpu.vector_load_idx %arg10[%broadcast_in_dim3A_255, %add3A_315] : memref<512x128xf32, #tpu.memory_space<vmem>>[vector<16xi32>, vector<16xi32>], vector<16xf32>,
      %add3A_317 = arith.constant 48 : i32
      %add3A_318 = vector.broadcast %add3A_317 : i32 to vector<16xi32>
      %add3A_319 = arith.addi %add3A_254, %add3A_318 : vector<16xi32>
      %gather3A_320 = tpu.vector_load_idx %arg10[%broadcast_in_dim3A_258, %add3A_319] : memref<512x128xf32, #tpu.memory_space<vmem>>[vector<16xi32>, vector<16xi32>], vector<16xf32>,
      %select_n3A_321 = arith.select %ne3A_237, %gather3A_316, %broadcast_in_dim3A_46 : vector<16xi1>, vector<16xf32>
      %mul3A_322 = arith.mulf %select_n3A_321, %mul3A_25 : vector<16xf32>
      %select_n3A_323 = arith.select %ne3A_240, %gather3A_320, %broadcast_in_dim3A_46 : vector<16xi1>, vector<16xf32>
      %mul3A_324 = arith.mulf %select_n3A_323, %mul3A_45 : vector<16xf32>
      %add3A_325 = arith.addf %mul3A_322, %mul3A_324 : vector<16xf32>
      %max3A_326 = arith.maximumf %add3A_325, %broadcast_in_dim3A_46 : vector<16xf32>
      %add3A_327 = arith.constant 0 : i32
      %add3A_328 = arith.addi %add3A_327, %scan3A_218 : i32
      %swap3A_329 = arith.index_cast %add3A_328 : i32 to index
      %swap3A_330 = arith.constant 48 : index
      %swap3A_331 = tpu.vector_load %arg11[%swap3A_329, %swap3A_330] {strides = array<i32>} : memref<256x128xf32, #tpu.memory_space<vmem>>, vector<16xf32>,
      tpu.vector_store %arg11[%swap3A_329, %swap3A_330], %max3A_326 {strides = array<i32>} : memref<256x128xf32, #tpu.memory_space<vmem>>, vector<16xf32>,
      %shift_left3A_332 = arith.constant 1 : i32
      %shift_left3A_333 = arith.shli %scan3A_218, %shift_left3A_332 : i32
      %add3A_334 = arith.constant 1 : i32
      %add3A_335 = arith.addi %shift_left3A_333, %add3A_334 : i32
      %add3A_336 = arith.constant 0 : i32
      %add3A_337 = arith.addi %add3A_336, %add3A_335 : i32
      %shift_left3A_338 = arith.constant 1 : i32
      %shift_left3A_339 = arith.shli %add3A_335, %shift_left3A_338 : i32
      %shift_right_logical3A_340 = arith.constant 6 : i32
      %shift_right_logical3A_341 = arith.shrui %add3A_337, %shift_right_logical3A_340 : i32
      %and3A_342 = arith.constant 63 : i32
      %and3A_343 = arith.andi %add3A_337, %and3A_342 : i32
      %shift_left3A_344 = arith.constant 1 : i32
      %shift_left3A_345 = arith.shli %and3A_343, %shift_left3A_344 : i32
      %broadcast_in_dim3A_346 = vector.broadcast %shift_right_logical3A_341 : i32 to vector<16xi32>
      %broadcast_in_dim3A_347 = vector.broadcast %shift_left3A_345 : i32 to vector<16xi32>
      %gather3A_348 = tpu.vector_load_idx %arg9[%broadcast_in_dim3A_346, %broadcast_in_dim3A_347] : memref<8x128xi32, #tpu.memory_space<vmem>>[vector<16xi32>, vector<16xi32>], vector<16xi32>,
      %add3A_349 = arith.constant 1 : i32
      %add3A_350 = arith.addi %shift_left3A_345, %add3A_349 : i32
      %broadcast_in_dim3A_351 = vector.broadcast %add3A_350 : i32 to vector<16xi32>
      %gather3A_352 = tpu.vector_load_idx %arg9[%broadcast_in_dim3A_346, %broadcast_in_dim3A_351] : memref<8x128xi32, #tpu.memory_space<vmem>>[vector<16xi32>, vector<16xi32>], vector<16xi32>,
      %ne3A_353 = arith.constant 0 : i32
      %ne3A_354 = vector.broadcast %ne3A_353 : i32 to vector<16xi32>
      %ne3A_355 = arith.cmpi ne, %gather3A_348, %ne3A_354 : vector<16xi32>
      %ne3A_356 = arith.constant 0 : i32
      %ne3A_357 = vector.broadcast %ne3A_356 : i32 to vector<16xi32>
      %ne3A_358 = arith.cmpi ne, %gather3A_352, %ne3A_357 : vector<16xi32>
      %and3A_359 = arith.constant 1 : i32
      %and3A_360 = vector.broadcast %and3A_359 : i32 to vector<16xi32>
      %and3A_361 = arith.andi %gather3A_348, %and3A_360 : vector<16xi32>
      %shift_left3A_362 = arith.constant 6 : i32
      %shift_left3A_363 = vector.broadcast %shift_left3A_362 : i32 to vector<16xi32>
      %shift_left3A_364 = arith.shli %and3A_361, %shift_left3A_363 : vector<16xi32>
      %add3A_365 = arith.addi %shift_left3A_364, %iota3A : vector<16xi32>
      %and3A_366 = arith.constant 1 : i32
      %and3A_367 = vector.broadcast %and3A_366 : i32 to vector<16xi32>
      %and3A_368 = arith.andi %gather3A_352, %and3A_367 : vector<16xi32>
      %shift_left3A_369 = arith.constant 6 : i32
      %shift_left3A_370 = vector.broadcast %shift_left3A_369 : i32 to vector<16xi32>
      %shift_left3A_371 = arith.shli %and3A_368, %shift_left3A_370 : vector<16xi32>
      %add3A_372 = arith.addi %shift_left3A_371, %iota3A : vector<16xi32>
      %broadcast_in_dim3A_373 = vector.broadcast %shift_left3A_339 : i32 to vector<16xi32>
      %add3A_374 = arith.constant 1 : i32
      %add3A_375 = arith.addi %shift_left3A_339, %add3A_374 : i32
      %broadcast_in_dim3A_376 = vector.broadcast %add3A_375 : i32 to vector<16xi32>
      %add3A_377 = arith.constant 0 : i32
      %add3A_378 = vector.broadcast %add3A_377 : i32 to vector<16xi32>
      %add3A_379 = arith.addi %add3A_365, %add3A_378 : vector<16xi32>
      %gather3A_380 = tpu.vector_load_idx %arg10[%broadcast_in_dim3A_373, %add3A_379] : memref<512x128xf32, #tpu.memory_space<vmem>>[vector<16xi32>, vector<16xi32>], vector<16xf32>,
      %add3A_381 = arith.constant 0 : i32
      %add3A_382 = vector.broadcast %add3A_381 : i32 to vector<16xi32>
      %add3A_383 = arith.addi %add3A_372, %add3A_382 : vector<16xi32>
      %gather3A_384 = tpu.vector_load_idx %arg10[%broadcast_in_dim3A_376, %add3A_383] : memref<512x128xf32, #tpu.memory_space<vmem>>[vector<16xi32>, vector<16xi32>], vector<16xf32>,
      %select_n3A_385 = arith.select %ne3A_355, %gather3A_380, %broadcast_in_dim3A_46 : vector<16xi1>, vector<16xf32>
      %mul3A_386 = arith.mulf %select_n3A_385, %mul3A_10 : vector<16xf32>
      %select_n3A_387 = arith.select %ne3A_358, %gather3A_384, %broadcast_in_dim3A_46 : vector<16xi1>, vector<16xf32>
      %mul3A_388 = arith.mulf %select_n3A_387, %mul3A_30 : vector<16xf32>
      %add3A_389 = arith.addf %mul3A_386, %mul3A_388 : vector<16xf32>
      %max3A_390 = arith.maximumf %add3A_389, %broadcast_in_dim3A_46 : vector<16xf32>
      %add3A_391 = arith.constant 0 : i32
      %add3A_392 = arith.addi %add3A_391, %scan3A_218 : i32
      %swap3A_393 = arith.index_cast %add3A_392 : i32 to index
      %swap3A_394 = arith.constant 64 : index
      %swap3A_395 = tpu.vector_load %arg11[%swap3A_393, %swap3A_394] {strides = array<i32>} : memref<256x128xf32, #tpu.memory_space<vmem>>, vector<16xf32>,
      tpu.vector_store %arg11[%swap3A_393, %swap3A_394], %max3A_390 {strides = array<i32>} : memref<256x128xf32, #tpu.memory_space<vmem>>, vector<16xf32>,
      %add3A_396 = arith.constant 16 : i32
      %add3A_397 = vector.broadcast %add3A_396 : i32 to vector<16xi32>
      %add3A_398 = arith.addi %add3A_365, %add3A_397 : vector<16xi32>
      %gather3A_399 = tpu.vector_load_idx %arg10[%broadcast_in_dim3A_373, %add3A_398] : memref<512x128xf32, #tpu.memory_space<vmem>>[vector<16xi32>, vector<16xi32>], vector<16xf32>,
      %add3A_400 = arith.constant 16 : i32
      %add3A_401 = vector.broadcast %add3A_400 : i32 to vector<16xi32>
      %add3A_402 = arith.addi %add3A_372, %add3A_401 : vector<16xi32>
      %gather3A_403 = tpu.vector_load_idx %arg10[%broadcast_in_dim3A_376, %add3A_402] : memref<512x128xf32, #tpu.memory_space<vmem>>[vector<16xi32>, vector<16xi32>], vector<16xf32>,
      %select_n3A_404 = arith.select %ne3A_355, %gather3A_399, %broadcast_in_dim3A_46 : vector<16xi1>, vector<16xf32>
      %mul3A_405 = arith.mulf %select_n3A_404, %mul3A_15 : vector<16xf32>
      %select_n3A_406 = arith.select %ne3A_358, %gather3A_403, %broadcast_in_dim3A_46 : vector<16xi1>, vector<16xf32>
      %mul3A_407 = arith.mulf %select_n3A_406, %mul3A_35 : vector<16xf32>
      %add3A_408 = arith.addf %mul3A_405, %mul3A_407 : vector<16xf32>
      %max3A_409 = arith.maximumf %add3A_408, %broadcast_in_dim3A_46 : vector<16xf32>
      %add3A_410 = arith.constant 0 : i32
      %add3A_411 = arith.addi %add3A_410, %scan3A_218 : i32
      %swap3A_412 = arith.index_cast %add3A_411 : i32 to index
      %swap3A_413 = arith.constant 80 : index
      %swap3A_414 = tpu.vector_load %arg11[%swap3A_412, %swap3A_413] {strides = array<i32>} : memref<256x128xf32, #tpu.memory_space<vmem>>, vector<16xf32>,
      tpu.vector_store %arg11[%swap3A_412, %swap3A_413], %max3A_409 {strides = array<i32>} : memref<256x128xf32, #tpu.memory_space<vmem>>, vector<16xf32>,
      %add3A_415 = arith.constant 32 : i32
      %add3A_416 = vector.broadcast %add3A_415 : i32 to vector<16xi32>
      %add3A_417 = arith.addi %add3A_365, %add3A_416 : vector<16xi32>
      %gather3A_418 = tpu.vector_load_idx %arg10[%broadcast_in_dim3A_373, %add3A_417] : memref<512x128xf32, #tpu.memory_space<vmem>>[vector<16xi32>, vector<16xi32>], vector<16xf32>,
      %add3A_419 = arith.constant 32 : i32
      %add3A_420 = vector.broadcast %add3A_419 : i32 to vector<16xi32>
      %add3A_421 = arith.addi %add3A_372, %add3A_420 : vector<16xi32>
      %gather3A_422 = tpu.vector_load_idx %arg10[%broadcast_in_dim3A_376, %add3A_421] : memref<512x128xf32, #tpu.memory_space<vmem>>[vector<16xi32>, vector<16xi32>], vector<16xf32>,
      %select_n3A_423 = arith.select %ne3A_355, %gather3A_418, %broadcast_in_dim3A_46 : vector<16xi1>, vector<16xf32>
      %mul3A_424 = arith.mulf %select_n3A_423, %mul3A_20 : vector<16xf32>
      %select_n3A_425 = arith.select %ne3A_358, %gather3A_422, %broadcast_in_dim3A_46 : vector<16xi1>, vector<16xf32>
      %mul3A_426 = arith.mulf %select_n3A_425, %mul3A_40 : vector<16xf32>
      %add3A_427 = arith.addf %mul3A_424, %mul3A_426 : vector<16xf32>
      %max3A_428 = arith.maximumf %add3A_427, %broadcast_in_dim3A_46 : vector<16xf32>
      %add3A_429 = arith.constant 0 : i32
      %add3A_430 = arith.addi %add3A_429, %scan3A_218 : i32
      %swap3A_431 = arith.index_cast %add3A_430 : i32 to index
      %swap3A_432 = arith.constant 96 : index
      %swap3A_433 = tpu.vector_load %arg11[%swap3A_431, %swap3A_432] {strides = array<i32>} : memref<256x128xf32, #tpu.memory_space<vmem>>, vector<16xf32>,
      tpu.vector_store %arg11[%swap3A_431, %swap3A_432], %max3A_428 {strides = array<i32>} : memref<256x128xf32, #tpu.memory_space<vmem>>, vector<16xf32>,
      %add3A_434 = arith.constant 48 : i32
      %add3A_435 = vector.broadcast %add3A_434 : i32 to vector<16xi32>
      %add3A_436 = arith.addi %add3A_365, %add3A_435 : vector<16xi32>
      %gather3A_437 = tpu.vector_load_idx %arg10[%broadcast_in_dim3A_373, %add3A_436] : memref<512x128xf32, #tpu.memory_space<vmem>>[vector<16xi32>, vector<16xi32>], vector<16xf32>,
      %add3A_438 = arith.constant 48 : i32
      %add3A_439 = vector.broadcast %add3A_438 : i32 to vector<16xi32>
      %add3A_440 = arith.addi %add3A_372, %add3A_439 : vector<16xi32>
      %gather3A_441 = tpu.vector_load_idx %arg10[%broadcast_in_dim3A_376, %add3A_440] : memref<512x128xf32, #tpu.memory_space<vmem>>[vector<16xi32>, vector<16xi32>], vector<16xf32>,
      %select_n3A_442 = arith.select %ne3A_355, %gather3A_437, %broadcast_in_dim3A_46 : vector<16xi1>, vector<16xf32>
      %mul3A_443 = arith.mulf %select_n3A_442, %mul3A_25 : vector<16xf32>
      %select_n3A_444 = arith.select %ne3A_358, %gather3A_441, %broadcast_in_dim3A_46 : vector<16xi1>, vector<16xf32>
      %mul3A_445 = arith.mulf %select_n3A_444, %mul3A_45 : vector<16xf32>
      %add3A_446 = arith.addf %mul3A_443, %mul3A_445 : vector<16xf32>
      %max3A_447 = arith.maximumf %add3A_446, %broadcast_in_dim3A_46 : vector<16xf32>
      %add3A_448 = arith.constant 0 : i32
      %add3A_449 = arith.addi %add3A_448, %scan3A_218 : i32
      %swap3A_450 = arith.index_cast %add3A_449 : i32 to index
      %swap3A_451 = arith.constant 112 : index
      %swap3A_452 = tpu.vector_load %arg11[%swap3A_450, %swap3A_451] {strides = array<i32>} : memref<256x128xf32, #tpu.memory_space<vmem>>, vector<16xf32>,
      tpu.vector_store %arg11[%swap3A_450, %swap3A_451], %max3A_447 {strides = array<i32>} : memref<256x128xf32, #tpu.memory_space<vmem>>, vector<16xf32>,
      %scan3A_453 = arith.constant 1 : i32
      %scan3A_454 = arith.addi %scan3A_218, %scan3A_453 : i32
      %shift_left3A_455 = arith.constant 1 : i32
      %shift_left3A_456 = arith.shli %scan3A_454, %shift_left3A_455 : i32
      %add3A_457 = arith.constant 0 : i32
      %add3A_458 = arith.addi %shift_left3A_456, %add3A_457 : i32
      %add3A_459 = arith.constant 0 : i32
      %add3A_460 = arith.addi %add3A_459, %add3A_458 : i32
      %shift_left3A_461 = arith.constant 1 : i32
      %shift_left3A_462 = arith.shli %add3A_458, %shift_left3A_461 : i32
      %shift_right_logical3A_463 = arith.constant 6 : i32
      %shift_right_logical3A_464 = arith.shrui %add3A_460, %shift_right_logical3A_463 : i32
      %and3A_465 = arith.constant 63 : i32
      %and3A_466 = arith.andi %add3A_460, %and3A_465 : i32
      %shift_left3A_467 = arith.constant 1 : i32
      %shift_left3A_468 = arith.shli %and3A_466, %shift_left3A_467 : i32
      %broadcast_in_dim3A_469 = vector.broadcast %shift_right_logical3A_464 : i32 to vector<16xi32>
      %broadcast_in_dim3A_470 = vector.broadcast %shift_left3A_468 : i32 to vector<16xi32>
      %gather3A_471 = tpu.vector_load_idx %arg9[%broadcast_in_dim3A_469, %broadcast_in_dim3A_470] : memref<8x128xi32, #tpu.memory_space<vmem>>[vector<16xi32>, vector<16xi32>], vector<16xi32>,
      %add3A_472 = arith.constant 1 : i32
      %add3A_473 = arith.addi %shift_left3A_468, %add3A_472 : i32
      %broadcast_in_dim3A_474 = vector.broadcast %add3A_473 : i32 to vector<16xi32>
      %gather3A_475 = tpu.vector_load_idx %arg9[%broadcast_in_dim3A_469, %broadcast_in_dim3A_474] : memref<8x128xi32, #tpu.memory_space<vmem>>[vector<16xi32>, vector<16xi32>], vector<16xi32>,
      %ne3A_476 = arith.constant 0 : i32
      %ne3A_477 = vector.broadcast %ne3A_476 : i32 to vector<16xi32>
      %ne3A_478 = arith.cmpi ne, %gather3A_471, %ne3A_477 : vector<16xi32>
      %ne3A_479 = arith.constant 0 : i32
      %ne3A_480 = vector.broadcast %ne3A_479 : i32 to vector<16xi32>
      %ne3A_481 = arith.cmpi ne, %gather3A_475, %ne3A_480 : vector<16xi32>
      %and3A_482 = arith.constant 1 : i32
      %and3A_483 = vector.broadcast %and3A_482 : i32 to vector<16xi32>
      %and3A_484 = arith.andi %gather3A_471, %and3A_483 : vector<16xi32>
      %shift_left3A_485 = arith.constant 6 : i32
      %shift_left3A_486 = vector.broadcast %shift_left3A_485 : i32 to vector<16xi32>
      %shift_left3A_487 = arith.shli %and3A_484, %shift_left3A_486 : vector<16xi32>
      %add3A_488 = arith.addi %shift_left3A_487, %iota3A : vector<16xi32>
      %and3A_489 = arith.constant 1 : i32
      %and3A_490 = vector.broadcast %and3A_489 : i32 to vector<16xi32>
      %and3A_491 = arith.andi %gather3A_475, %and3A_490 : vector<16xi32>
      %shift_left3A_492 = arith.constant 6 : i32
      %shift_left3A_493 = vector.broadcast %shift_left3A_492 : i32 to vector<16xi32>
      %shift_left3A_494 = arith.shli %and3A_491, %shift_left3A_493 : vector<16xi32>
      %add3A_495 = arith.addi %shift_left3A_494, %iota3A : vector<16xi32>
      %broadcast_in_dim3A_496 = vector.broadcast %shift_left3A_462 : i32 to vector<16xi32>
      %add3A_497 = arith.constant 1 : i32
      %add3A_498 = arith.addi %shift_left3A_462, %add3A_497 : i32
      %broadcast_in_dim3A_499 = vector.broadcast %add3A_498 : i32 to vector<16xi32>
      %add3A_500 = arith.constant 0 : i32
      %add3A_501 = vector.broadcast %add3A_500 : i32 to vector<16xi32>
      %add3A_502 = arith.addi %add3A_488, %add3A_501 : vector<16xi32>
      %gather3A_503 = tpu.vector_load_idx %arg10[%broadcast_in_dim3A_496, %add3A_502] : memref<512x128xf32, #tpu.memory_space<vmem>>[vector<16xi32>, vector<16xi32>], vector<16xf32>,
      %add3A_504 = arith.constant 0 : i32
      %add3A_505 = vector.broadcast %add3A_504 : i32 to vector<16xi32>
      %add3A_506 = arith.addi %add3A_495, %add3A_505 : vector<16xi32>
      %gather3A_507 = tpu.vector_load_idx %arg10[%broadcast_in_dim3A_499, %add3A_506] : memref<512x128xf32, #tpu.memory_space<vmem>>[vector<16xi32>, vector<16xi32>], vector<16xf32>,
      %select_n3A_508 = arith.select %ne3A_478, %gather3A_503, %broadcast_in_dim3A_46 : vector<16xi1>, vector<16xf32>
      %mul3A_509 = arith.mulf %select_n3A_508, %mul3A_10 : vector<16xf32>
      %select_n3A_510 = arith.select %ne3A_481, %gather3A_507, %broadcast_in_dim3A_46 : vector<16xi1>, vector<16xf32>
      %mul3A_511 = arith.mulf %select_n3A_510, %mul3A_30 : vector<16xf32>
      %add3A_512 = arith.addf %mul3A_509, %mul3A_511 : vector<16xf32>
      %max3A_513 = arith.maximumf %add3A_512, %broadcast_in_dim3A_46 : vector<16xf32>
      %add3A_514 = arith.constant 0 : i32
      %add3A_515 = arith.addi %add3A_514, %scan3A_454 : i32
      %swap3A_516 = arith.index_cast %add3A_515 : i32 to index
      %swap3A_517 = arith.constant 0 : index
      %swap3A_518 = tpu.vector_load %arg11[%swap3A_516, %swap3A_517] {strides = array<i32>} : memref<256x128xf32, #tpu.memory_space<vmem>>, vector<16xf32>,
      tpu.vector_store %arg11[%swap3A_516, %swap3A_517], %max3A_513 {strides = array<i32>} : memref<256x128xf32, #tpu.memory_space<vmem>>, vector<16xf32>,
      %add3A_519 = arith.constant 16 : i32
      %add3A_520 = vector.broadcast %add3A_519 : i32 to vector<16xi32>
      %add3A_521 = arith.addi %add3A_488, %add3A_520 : vector<16xi32>
      %gather3A_522 = tpu.vector_load_idx %arg10[%broadcast_in_dim3A_496, %add3A_521] : memref<512x128xf32, #tpu.memory_space<vmem>>[vector<16xi32>, vector<16xi32>], vector<16xf32>,
      %add3A_523 = arith.constant 16 : i32
      %add3A_524 = vector.broadcast %add3A_523 : i32 to vector<16xi32>
      %add3A_525 = arith.addi %add3A_495, %add3A_524 : vector<16xi32>
      %gather3A_526 = tpu.vector_load_idx %arg10[%broadcast_in_dim3A_499, %add3A_525] : memref<512x128xf32, #tpu.memory_space<vmem>>[vector<16xi32>, vector<16xi32>], vector<16xf32>,
      %select_n3A_527 = arith.select %ne3A_478, %gather3A_522, %broadcast_in_dim3A_46 : vector<16xi1>, vector<16xf32>
      %mul3A_528 = arith.mulf %select_n3A_527, %mul3A_15 : vector<16xf32>
      %select_n3A_529 = arith.select %ne3A_481, %gather3A_526, %broadcast_in_dim3A_46 : vector<16xi1>, vector<16xf32>
      %mul3A_530 = arith.mulf %select_n3A_529, %mul3A_35 : vector<16xf32>
      %add3A_531 = arith.addf %mul3A_528, %mul3A_530 : vector<16xf32>
      %max3A_532 = arith.maximumf %add3A_531, %broadcast_in_dim3A_46 : vector<16xf32>
      %add3A_533 = arith.constant 0 : i32
      %add3A_534 = arith.addi %add3A_533, %scan3A_454 : i32
      %swap3A_535 = arith.index_cast %add3A_534 : i32 to index
      %swap3A_536 = arith.constant 16 : index
      %swap3A_537 = tpu.vector_load %arg11[%swap3A_535, %swap3A_536] {strides = array<i32>} : memref<256x128xf32, #tpu.memory_space<vmem>>, vector<16xf32>,
      tpu.vector_store %arg11[%swap3A_535, %swap3A_536], %max3A_532 {strides = array<i32>} : memref<256x128xf32, #tpu.memory_space<vmem>>, vector<16xf32>,
      %add3A_538 = arith.constant 32 : i32
      %add3A_539 = vector.broadcast %add3A_538 : i32 to vector<16xi32>
      %add3A_540 = arith.addi %add3A_488, %add3A_539 : vector<16xi32>
      %gather3A_541 = tpu.vector_load_idx %arg10[%broadcast_in_dim3A_496, %add3A_540] : memref<512x128xf32, #tpu.memory_space<vmem>>[vector<16xi32>, vector<16xi32>], vector<16xf32>,
      %add3A_542 = arith.constant 32 : i32
      %add3A_543 = vector.broadcast %add3A_542 : i32 to vector<16xi32>
      %add3A_544 = arith.addi %add3A_495, %add3A_543 : vector<16xi32>
      %gather3A_545 = tpu.vector_load_idx %arg10[%broadcast_in_dim3A_499, %add3A_544] : memref<512x128xf32, #tpu.memory_space<vmem>>[vector<16xi32>, vector<16xi32>], vector<16xf32>,
      %select_n3A_546 = arith.select %ne3A_478, %gather3A_541, %broadcast_in_dim3A_46 : vector<16xi1>, vector<16xf32>
      %mul3A_547 = arith.mulf %select_n3A_546, %mul3A_20 : vector<16xf32>
      %select_n3A_548 = arith.select %ne3A_481, %gather3A_545, %broadcast_in_dim3A_46 : vector<16xi1>, vector<16xf32>
      %mul3A_549 = arith.mulf %select_n3A_548, %mul3A_40 : vector<16xf32>
      %add3A_550 = arith.addf %mul3A_547, %mul3A_549 : vector<16xf32>
      %max3A_551 = arith.maximumf %add3A_550, %broadcast_in_dim3A_46 : vector<16xf32>
      %add3A_552 = arith.constant 0 : i32
      %add3A_553 = arith.addi %add3A_552, %scan3A_454 : i32
      %swap3A_554 = arith.index_cast %add3A_553 : i32 to index
      %swap3A_555 = arith.constant 32 : index
      %swap3A_556 = tpu.vector_load %arg11[%swap3A_554, %swap3A_555] {strides = array<i32>} : memref<256x128xf32, #tpu.memory_space<vmem>>, vector<16xf32>,
      tpu.vector_store %arg11[%swap3A_554, %swap3A_555], %max3A_551 {strides = array<i32>} : memref<256x128xf32, #tpu.memory_space<vmem>>, vector<16xf32>,
      %add3A_557 = arith.constant 48 : i32
      %add3A_558 = vector.broadcast %add3A_557 : i32 to vector<16xi32>
      %add3A_559 = arith.addi %add3A_488, %add3A_558 : vector<16xi32>
      %gather3A_560 = tpu.vector_load_idx %arg10[%broadcast_in_dim3A_496, %add3A_559] : memref<512x128xf32, #tpu.memory_space<vmem>>[vector<16xi32>, vector<16xi32>], vector<16xf32>,
      %add3A_561 = arith.constant 48 : i32
      %add3A_562 = vector.broadcast %add3A_561 : i32 to vector<16xi32>
      %add3A_563 = arith.addi %add3A_495, %add3A_562 : vector<16xi32>
      %gather3A_564 = tpu.vector_load_idx %arg10[%broadcast_in_dim3A_499, %add3A_563] : memref<512x128xf32, #tpu.memory_space<vmem>>[vector<16xi32>, vector<16xi32>], vector<16xf32>,
      %select_n3A_565 = arith.select %ne3A_478, %gather3A_560, %broadcast_in_dim3A_46 : vector<16xi1>, vector<16xf32>
      %mul3A_566 = arith.mulf %select_n3A_565, %mul3A_25 : vector<16xf32>
      %select_n3A_567 = arith.select %ne3A_481, %gather3A_564, %broadcast_in_dim3A_46 : vector<16xi1>, vector<16xf32>
      %mul3A_568 = arith.mulf %select_n3A_567, %mul3A_45 : vector<16xf32>
      %add3A_569 = arith.addf %mul3A_566, %mul3A_568 : vector<16xf32>
      %max3A_570 = arith.maximumf %add3A_569, %broadcast_in_dim3A_46 : vector<16xf32>
      %add3A_571 = arith.constant 0 : i32
      %add3A_572 = arith.addi %add3A_571, %scan3A_454 : i32
      %swap3A_573 = arith.index_cast %add3A_572 : i32 to index
      %swap3A_574 = arith.constant 48 : index
      %swap3A_575 = tpu.vector_load %arg11[%swap3A_573, %swap3A_574] {strides = array<i32>} : memref<256x128xf32, #tpu.memory_space<vmem>>, vector<16xf32>,
      tpu.vector_store %arg11[%swap3A_573, %swap3A_574], %max3A_570 {strides = array<i32>} : memref<256x128xf32, #tpu.memory_space<vmem>>, vector<16xf32>,
      %shift_left3A_576 = arith.constant 1 : i32
      %shift_left3A_577 = arith.shli %scan3A_454, %shift_left3A_576 : i32
      %add3A_578 = arith.constant 1 : i32
      %add3A_579 = arith.addi %shift_left3A_577, %add3A_578 : i32
      %add3A_580 = arith.constant 0 : i32
      %add3A_581 = arith.addi %add3A_580, %add3A_579 : i32
      %shift_left3A_582 = arith.constant 1 : i32
      %shift_left3A_583 = arith.shli %add3A_579, %shift_left3A_582 : i32
      %shift_right_logical3A_584 = arith.constant 6 : i32
      %shift_right_logical3A_585 = arith.shrui %add3A_581, %shift_right_logical3A_584 : i32
      %and3A_586 = arith.constant 63 : i32
      %and3A_587 = arith.andi %add3A_581, %and3A_586 : i32
      %shift_left3A_588 = arith.constant 1 : i32
      %shift_left3A_589 = arith.shli %and3A_587, %shift_left3A_588 : i32
      %broadcast_in_dim3A_590 = vector.broadcast %shift_right_logical3A_585 : i32 to vector<16xi32>
      %broadcast_in_dim3A_591 = vector.broadcast %shift_left3A_589 : i32 to vector<16xi32>
      %gather3A_592 = tpu.vector_load_idx %arg9[%broadcast_in_dim3A_590, %broadcast_in_dim3A_591] : memref<8x128xi32, #tpu.memory_space<vmem>>[vector<16xi32>, vector<16xi32>], vector<16xi32>,
      %add3A_593 = arith.constant 1 : i32
      %add3A_594 = arith.addi %shift_left3A_589, %add3A_593 : i32
      %broadcast_in_dim3A_595 = vector.broadcast %add3A_594 : i32 to vector<16xi32>
      %gather3A_596 = tpu.vector_load_idx %arg9[%broadcast_in_dim3A_590, %broadcast_in_dim3A_595] : memref<8x128xi32, #tpu.memory_space<vmem>>[vector<16xi32>, vector<16xi32>], vector<16xi32>,
      %ne3A_597 = arith.constant 0 : i32
      %ne3A_598 = vector.broadcast %ne3A_597 : i32 to vector<16xi32>
      %ne3A_599 = arith.cmpi ne, %gather3A_592, %ne3A_598 : vector<16xi32>
      %ne3A_600 = arith.constant 0 : i32
      %ne3A_601 = vector.broadcast %ne3A_600 : i32 to vector<16xi32>
      %ne3A_602 = arith.cmpi ne, %gather3A_596, %ne3A_601 : vector<16xi32>
      %and3A_603 = arith.constant 1 : i32
      %and3A_604 = vector.broadcast %and3A_603 : i32 to vector<16xi32>
      %and3A_605 = arith.andi %gather3A_592, %and3A_604 : vector<16xi32>
      %shift_left3A_606 = arith.constant 6 : i32
      %shift_left3A_607 = vector.broadcast %shift_left3A_606 : i32 to vector<16xi32>
      %shift_left3A_608 = arith.shli %and3A_605, %shift_left3A_607 : vector<16xi32>
      %add3A_609 = arith.addi %shift_left3A_608, %iota3A : vector<16xi32>
      %and3A_610 = arith.constant 1 : i32
      %and3A_611 = vector.broadcast %and3A_610 : i32 to vector<16xi32>
      %and3A_612 = arith.andi %gather3A_596, %and3A_611 : vector<16xi32>
      %shift_left3A_613 = arith.constant 6 : i32
      %shift_left3A_614 = vector.broadcast %shift_left3A_613 : i32 to vector<16xi32>
      %shift_left3A_615 = arith.shli %and3A_612, %shift_left3A_614 : vector<16xi32>
      %add3A_616 = arith.addi %shift_left3A_615, %iota3A : vector<16xi32>
      %broadcast_in_dim3A_617 = vector.broadcast %shift_left3A_583 : i32 to vector<16xi32>
      %add3A_618 = arith.constant 1 : i32
      %add3A_619 = arith.addi %shift_left3A_583, %add3A_618 : i32
      %broadcast_in_dim3A_620 = vector.broadcast %add3A_619 : i32 to vector<16xi32>
      %add3A_621 = arith.constant 0 : i32
      %add3A_622 = vector.broadcast %add3A_621 : i32 to vector<16xi32>
      %add3A_623 = arith.addi %add3A_609, %add3A_622 : vector<16xi32>
      %gather3A_624 = tpu.vector_load_idx %arg10[%broadcast_in_dim3A_617, %add3A_623] : memref<512x128xf32, #tpu.memory_space<vmem>>[vector<16xi32>, vector<16xi32>], vector<16xf32>,
      %add3A_625 = arith.constant 0 : i32
      %add3A_626 = vector.broadcast %add3A_625 : i32 to vector<16xi32>
      %add3A_627 = arith.addi %add3A_616, %add3A_626 : vector<16xi32>
      %gather3A_628 = tpu.vector_load_idx %arg10[%broadcast_in_dim3A_620, %add3A_627] : memref<512x128xf32, #tpu.memory_space<vmem>>[vector<16xi32>, vector<16xi32>], vector<16xf32>,
      %select_n3A_629 = arith.select %ne3A_599, %gather3A_624, %broadcast_in_dim3A_46 : vector<16xi1>, vector<16xf32>
      %mul3A_630 = arith.mulf %select_n3A_629, %mul3A_10 : vector<16xf32>
      %select_n3A_631 = arith.select %ne3A_602, %gather3A_628, %broadcast_in_dim3A_46 : vector<16xi1>, vector<16xf32>
      %mul3A_632 = arith.mulf %select_n3A_631, %mul3A_30 : vector<16xf32>
      %add3A_633 = arith.addf %mul3A_630, %mul3A_632 : vector<16xf32>
      %max3A_634 = arith.maximumf %add3A_633, %broadcast_in_dim3A_46 : vector<16xf32>
      %add3A_635 = arith.constant 0 : i32
      %add3A_636 = arith.addi %add3A_635, %scan3A_454 : i32
      %swap3A_637 = arith.index_cast %add3A_636 : i32 to index
      %swap3A_638 = arith.constant 64 : index
      %swap3A_639 = tpu.vector_load %arg11[%swap3A_637, %swap3A_638] {strides = array<i32>} : memref<256x128xf32, #tpu.memory_space<vmem>>, vector<16xf32>,
      tpu.vector_store %arg11[%swap3A_637, %swap3A_638], %max3A_634 {strides = array<i32>} : memref<256x128xf32, #tpu.memory_space<vmem>>, vector<16xf32>,
      %add3A_640 = arith.constant 16 : i32
      %add3A_641 = vector.broadcast %add3A_640 : i32 to vector<16xi32>
      %add3A_642 = arith.addi %add3A_609, %add3A_641 : vector<16xi32>
      %gather3A_643 = tpu.vector_load_idx %arg10[%broadcast_in_dim3A_617, %add3A_642] : memref<512x128xf32, #tpu.memory_space<vmem>>[vector<16xi32>, vector<16xi32>], vector<16xf32>,
      %add3A_644 = arith.constant 16 : i32
      %add3A_645 = vector.broadcast %add3A_644 : i32 to vector<16xi32>
      %add3A_646 = arith.addi %add3A_616, %add3A_645 : vector<16xi32>
      %gather3A_647 = tpu.vector_load_idx %arg10[%broadcast_in_dim3A_620, %add3A_646] : memref<512x128xf32, #tpu.memory_space<vmem>>[vector<16xi32>, vector<16xi32>], vector<16xf32>,
      %select_n3A_648 = arith.select %ne3A_599, %gather3A_643, %broadcast_in_dim3A_46 : vector<16xi1>, vector<16xf32>
      %mul3A_649 = arith.mulf %select_n3A_648, %mul3A_15 : vector<16xf32>
      %select_n3A_650 = arith.select %ne3A_602, %gather3A_647, %broadcast_in_dim3A_46 : vector<16xi1>, vector<16xf32>
      %mul3A_651 = arith.mulf %select_n3A_650, %mul3A_35 : vector<16xf32>
      %add3A_652 = arith.addf %mul3A_649, %mul3A_651 : vector<16xf32>
      %max3A_653 = arith.maximumf %add3A_652, %broadcast_in_dim3A_46 : vector<16xf32>
      %add3A_654 = arith.constant 0 : i32
      %add3A_655 = arith.addi %add3A_654, %scan3A_454 : i32
      %swap3A_656 = arith.index_cast %add3A_655 : i32 to index
      %swap3A_657 = arith.constant 80 : index
      %swap3A_658 = tpu.vector_load %arg11[%swap3A_656, %swap3A_657] {strides = array<i32>} : memref<256x128xf32, #tpu.memory_space<vmem>>, vector<16xf32>,
      tpu.vector_store %arg11[%swap3A_656, %swap3A_657], %max3A_653 {strides = array<i32>} : memref<256x128xf32, #tpu.memory_space<vmem>>, vector<16xf32>,
      %add3A_659 = arith.constant 32 : i32
      %add3A_660 = vector.broadcast %add3A_659 : i32 to vector<16xi32>
      %add3A_661 = arith.addi %add3A_609, %add3A_660 : vector<16xi32>
      %gather3A_662 = tpu.vector_load_idx %arg10[%broadcast_in_dim3A_617, %add3A_661] : memref<512x128xf32, #tpu.memory_space<vmem>>[vector<16xi32>, vector<16xi32>], vector<16xf32>,
      %add3A_663 = arith.constant 32 : i32
      %add3A_664 = vector.broadcast %add3A_663 : i32 to vector<16xi32>
      %add3A_665 = arith.addi %add3A_616, %add3A_664 : vector<16xi32>
      %gather3A_666 = tpu.vector_load_idx %arg10[%broadcast_in_dim3A_620, %add3A_665] : memref<512x128xf32, #tpu.memory_space<vmem>>[vector<16xi32>, vector<16xi32>], vector<16xf32>,
      %select_n3A_667 = arith.select %ne3A_599, %gather3A_662, %broadcast_in_dim3A_46 : vector<16xi1>, vector<16xf32>
      %mul3A_668 = arith.mulf %select_n3A_667, %mul3A_20 : vector<16xf32>
      %select_n3A_669 = arith.select %ne3A_602, %gather3A_666, %broadcast_in_dim3A_46 : vector<16xi1>, vector<16xf32>
      %mul3A_670 = arith.mulf %select_n3A_669, %mul3A_40 : vector<16xf32>
      %add3A_671 = arith.addf %mul3A_668, %mul3A_670 : vector<16xf32>
      %max3A_672 = arith.maximumf %add3A_671, %broadcast_in_dim3A_46 : vector<16xf32>
      %add3A_673 = arith.constant 0 : i32
      %add3A_674 = arith.addi %add3A_673, %scan3A_454 : i32
      %swap3A_675 = arith.index_cast %add3A_674 : i32 to index
      %swap3A_676 = arith.constant 96 : index
      %swap3A_677 = tpu.vector_load %arg11[%swap3A_675, %swap3A_676] {strides = array<i32>} : memref<256x128xf32, #tpu.memory_space<vmem>>, vector<16xf32>,
      tpu.vector_store %arg11[%swap3A_675, %swap3A_676], %max3A_672 {strides = array<i32>} : memref<256x128xf32, #tpu.memory_space<vmem>>, vector<16xf32>,
      %add3A_678 = arith.constant 48 : i32
      %add3A_679 = vector.broadcast %add3A_678 : i32 to vector<16xi32>
      %add3A_680 = arith.addi %add3A_609, %add3A_679 : vector<16xi32>
      %gather3A_681 = tpu.vector_load_idx %arg10[%broadcast_in_dim3A_617, %add3A_680] : memref<512x128xf32, #tpu.memory_space<vmem>>[vector<16xi32>, vector<16xi32>], vector<16xf32>,
      %add3A_682 = arith.constant 48 : i32
      %add3A_683 = vector.broadcast %add3A_682 : i32 to vector<16xi32>
      %add3A_684 = arith.addi %add3A_616, %add3A_683 : vector<16xi32>
      %gather3A_685 = tpu.vector_load_idx %arg10[%broadcast_in_dim3A_620, %add3A_684] : memref<512x128xf32, #tpu.memory_space<vmem>>[vector<16xi32>, vector<16xi32>], vector<16xf32>,
      %select_n3A_686 = arith.select %ne3A_599, %gather3A_681, %broadcast_in_dim3A_46 : vector<16xi1>, vector<16xf32>
      %mul3A_687 = arith.mulf %select_n3A_686, %mul3A_25 : vector<16xf32>
      %select_n3A_688 = arith.select %ne3A_602, %gather3A_685, %broadcast_in_dim3A_46 : vector<16xi1>, vector<16xf32>
      %mul3A_689 = arith.mulf %select_n3A_688, %mul3A_45 : vector<16xf32>
      %add3A_690 = arith.addf %mul3A_687, %mul3A_689 : vector<16xf32>
      %max3A_691 = arith.maximumf %add3A_690, %broadcast_in_dim3A_46 : vector<16xf32>
      %add3A_692 = arith.constant 0 : i32
      %add3A_693 = arith.addi %add3A_692, %scan3A_454 : i32
      %swap3A_694 = arith.index_cast %add3A_693 : i32 to index
      %swap3A_695 = arith.constant 112 : index
      %swap3A_696 = tpu.vector_load %arg11[%swap3A_694, %swap3A_695] {strides = array<i32>} : memref<256x128xf32, #tpu.memory_space<vmem>>, vector<16xf32>,
      tpu.vector_store %arg11[%swap3A_694, %swap3A_695], %max3A_691 {strides = array<i32>} : memref<256x128xf32, #tpu.memory_space<vmem>>, vector<16xf32>,
    }
    %scan3A_129 = arith.constant 128 : i32
    %dma_start3A_130 = arith.constant 4 : i32
    %dma_start3A_131 = arith.constant 0 : i32
    %dma_start3A_132 = arith.constant 0 : i32
    %dma_start3A_133 = tpu.memref_slice %arg10[%dma_start3A_131, %dma_start3A_132] : memref<512x128xf32, #tpu.memory_space<vmem>> -> memref<128x128xf32, #tpu.memory_space<vmem>>
    %dma_start3A_134 = arith.constant 0 : i32
    %dma_start3A_135 = tpu.memref_slice %arg8[%dma_start3A_130, %dma_start3A_134] : memref<8x128xi32, #tpu.memory_space<vmem>> -> memref<1x128xi32, #tpu.memory_space<vmem>>
    %dma_start3A_136 = tpu.memref_squeeze %dma_start3A_135 : memref<1x128xi32, #tpu.memory_space<vmem>> -> memref<128xi32, #tpu.memory_space<vmem>>
    %dma_start3A_137 = arith.constant 0 : i32
    %dma_start3A_138 = arith.constant 0 : i32
    %dma_start3A_139 = tpu.memref_slice %arg2[%dma_start3A_137, %dma_start3A_138] : memref<500000x128xf32, #tpu.memory_space<hbm>> -> memref<500000x128xf32, #tpu.memory_space<hbm>>
    tpu.enqueue_indirect_dma source(%dma_start3A_139 : memref<500000x128xf32, #tpu.memory_space<hbm>>) target(%dma_start3A_133 : memref<128x128xf32, #tpu.memory_space<vmem>>) offsets(%dma_start3A_136 : memref<128xi32, #tpu.memory_space<vmem>>) semaphore(%arg14 : memref<!tpu.dma_semaphore, #tpu.memory_space<semaphore_mem>>)
    %dma_start3A_140 = arith.constant 5 : i32
    %dma_start3A_141 = arith.constant 128 : i32
    %dma_start3A_142 = arith.constant 0 : i32
    %dma_start3A_143 = tpu.memref_slice %arg10[%dma_start3A_141, %dma_start3A_142] : memref<512x128xf32, #tpu.memory_space<vmem>> -> memref<128x128xf32, #tpu.memory_space<vmem>>
    %dma_start3A_144 = arith.constant 0 : i32
    %dma_start3A_145 = tpu.memref_slice %arg8[%dma_start3A_140, %dma_start3A_144] : memref<8x128xi32, #tpu.memory_space<vmem>> -> memref<1x128xi32, #tpu.memory_space<vmem>>
    %dma_start3A_146 = tpu.memref_squeeze %dma_start3A_145 : memref<1x128xi32, #tpu.memory_space<vmem>> -> memref<128xi32, #tpu.memory_space<vmem>>
    %dma_start3A_147 = arith.constant 0 : i32
    %dma_start3A_148 = arith.constant 0 : i32
    %dma_start3A_149 = tpu.memref_slice %arg2[%dma_start3A_147, %dma_start3A_148] : memref<500000x128xf32, #tpu.memory_space<hbm>> -> memref<500000x128xf32, #tpu.memory_space<hbm>>
    tpu.enqueue_indirect_dma source(%dma_start3A_149 : memref<500000x128xf32, #tpu.memory_space<hbm>>) target(%dma_start3A_143 : memref<128x128xf32, #tpu.memory_space<vmem>>) offsets(%dma_start3A_146 : memref<128xi32, #tpu.memory_space<vmem>>) semaphore(%arg14 : memref<!tpu.dma_semaphore, #tpu.memory_space<semaphore_mem>>)
    %dma_start3A_150 = arith.constant 6 : i32
    %dma_start3A_151 = arith.constant 256 : i32
    %dma_start3A_152 = arith.constant 0 : i32
    %dma_start3A_153 = tpu.memref_slice %arg10[%dma_start3A_151, %dma_start3A_152] : memref<512x128xf32, #tpu.memory_space<vmem>> -> memref<128x128xf32, #tpu.memory_space<vmem>>
    %dma_start3A_154 = arith.constant 0 : i32
    %dma_start3A_155 = tpu.memref_slice %arg8[%dma_start3A_150, %dma_start3A_154] : memref<8x128xi32, #tpu.memory_space<vmem>> -> memref<1x128xi32, #tpu.memory_space<vmem>>
    %dma_start3A_156 = tpu.memref_squeeze %dma_start3A_155 : memref<1x128xi32, #tpu.memory_space<vmem>> -> memref<128xi32, #tpu.memory_space<vmem>>
    %dma_start3A_157 = arith.constant 0 : i32
    %dma_start3A_158 = arith.constant 0 : i32
    %dma_start3A_159 = tpu.memref_slice %arg2[%dma_start3A_157, %dma_start3A_158] : memref<500000x128xf32, #tpu.memory_space<hbm>> -> memref<500000x128xf32, #tpu.memory_space<hbm>>
    tpu.enqueue_indirect_dma source(%dma_start3A_159 : memref<500000x128xf32, #tpu.memory_space<hbm>>) target(%dma_start3A_153 : memref<128x128xf32, #tpu.memory_space<vmem>>) offsets(%dma_start3A_156 : memref<128xi32, #tpu.memory_space<vmem>>) semaphore(%arg14 : memref<!tpu.dma_semaphore, #tpu.memory_space<semaphore_mem>>)
    %dma_start3A_160 = arith.constant 7 : i32
    %dma_start3A_161 = arith.constant 384 : i32
    %dma_start3A_162 = arith.constant 0 : i32
    %dma_start3A_163 = tpu.memref_slice %arg10[%dma_start3A_161, %dma_start3A_162] : memref<512x128xf32, #tpu.memory_space<vmem>> -> memref<128x128xf32, #tpu.memory_space<vmem>>
    %dma_start3A_164 = arith.constant 0 : i32
    %dma_start3A_165 = tpu.memref_slice %arg8[%dma_start3A_160, %dma_start3A_164] : memref<8x128xi32, #tpu.memory_space<vmem>> -> memref<1x128xi32, #tpu.memory_space<vmem>>
    %dma_start3A_166 = tpu.memref_squeeze %dma_start3A_165 : memref<1x128xi32, #tpu.memory_space<vmem>> -> memref<128xi32, #tpu.memory_space<vmem>>
    %dma_start3A_167 = arith.constant 0 : i32
    %dma_start3A_168 = arith.constant 0 : i32
    %dma_start3A_169 = tpu.memref_slice %arg2[%dma_start3A_167, %dma_start3A_168] : memref<500000x128xf32, #tpu.memory_space<hbm>> -> memref<500000x128xf32, #tpu.memory_space<hbm>>
    tpu.enqueue_indirect_dma source(%dma_start3A_169 : memref<500000x128xf32, #tpu.memory_space<hbm>>) target(%dma_start3A_163 : memref<128x128xf32, #tpu.memory_space<vmem>>) offsets(%dma_start3A_166 : memref<128xi32, #tpu.memory_space<vmem>>) semaphore(%arg14 : memref<!tpu.dma_semaphore, #tpu.memory_space<semaphore_mem>>)
    %dma_wait3A_170 = arith.constant 4 : i32
    %dma_wait3A_171 = arith.constant 0 : i32
    %dma_wait3A_172 = arith.constant 0 : i32
    %dma_wait3A_173 = tpu.memref_slice %arg10[%dma_wait3A_171, %dma_wait3A_172] : memref<512x128xf32, #tpu.memory_space<vmem>> -> memref<128x128xf32, #tpu.memory_space<vmem>>
    %dma_wait3A_174 = arith.constant 0 : i32
    %dma_wait3A_175 = tpu.memref_slice %arg8[%dma_wait3A_170, %dma_wait3A_174] : memref<8x128xi32, #tpu.memory_space<vmem>> -> memref<1x128xi32, #tpu.memory_space<vmem>>
    %dma_wait3A_176 = tpu.memref_squeeze %dma_wait3A_175 : memref<1x128xi32, #tpu.memory_space<vmem>> -> memref<128xi32, #tpu.memory_space<vmem>>
    %dma_wait3A_177 = arith.constant 0 : i32
    %dma_wait3A_178 = arith.constant 0 : i32
    %dma_wait3A_179 = tpu.memref_slice %arg2[%dma_wait3A_177, %dma_wait3A_178] : memref<500000x128xf32, #tpu.memory_space<hbm>> -> memref<500000x128xf32, #tpu.memory_space<hbm>>
    tpu.wait_indirect_dma semaphore(%arg14 : memref<!tpu.dma_semaphore, #tpu.memory_space<semaphore_mem>>) src(%dma_wait3A_179 : memref<500000x128xf32, #tpu.memory_space<hbm>>) dst(%dma_wait3A_173 : memref<128x128xf32, #tpu.memory_space<vmem>>)
    %dma_wait3A_180 = arith.constant 5 : i32
    %dma_wait3A_181 = arith.constant 128 : i32
    %dma_wait3A_182 = arith.constant 0 : i32
    %dma_wait3A_183 = tpu.memref_slice %arg10[%dma_wait3A_181, %dma_wait3A_182] : memref<512x128xf32, #tpu.memory_space<vmem>> -> memref<128x128xf32, #tpu.memory_space<vmem>>
    %dma_wait3A_184 = arith.constant 0 : i32
    %dma_wait3A_185 = tpu.memref_slice %arg8[%dma_wait3A_180, %dma_wait3A_184] : memref<8x128xi32, #tpu.memory_space<vmem>> -> memref<1x128xi32, #tpu.memory_space<vmem>>
    %dma_wait3A_186 = tpu.memref_squeeze %dma_wait3A_185 : memref<1x128xi32, #tpu.memory_space<vmem>> -> memref<128xi32, #tpu.memory_space<vmem>>
    %dma_wait3A_187 = arith.constant 0 : i32
    %dma_wait3A_188 = arith.constant 0 : i32
    %dma_wait3A_189 = tpu.memref_slice %arg2[%dma_wait3A_187, %dma_wait3A_188] : memref<500000x128xf32, #tpu.memory_space<hbm>> -> memref<500000x128xf32, #tpu.memory_space<hbm>>
    tpu.wait_indirect_dma semaphore(%arg14 : memref<!tpu.dma_semaphore, #tpu.memory_space<semaphore_mem>>) src(%dma_wait3A_189 : memref<500000x128xf32, #tpu.memory_space<hbm>>) dst(%dma_wait3A_183 : memref<128x128xf32, #tpu.memory_space<vmem>>)
    %dma_wait3A_190 = arith.constant 6 : i32
    %dma_wait3A_191 = arith.constant 256 : i32
    %dma_wait3A_192 = arith.constant 0 : i32
    %dma_wait3A_193 = tpu.memref_slice %arg10[%dma_wait3A_191, %dma_wait3A_192] : memref<512x128xf32, #tpu.memory_space<vmem>> -> memref<128x128xf32, #tpu.memory_space<vmem>>
    %dma_wait3A_194 = arith.constant 0 : i32
    %dma_wait3A_195 = tpu.memref_slice %arg8[%dma_wait3A_190, %dma_wait3A_194] : memref<8x128xi32, #tpu.memory_space<vmem>> -> memref<1x128xi32, #tpu.memory_space<vmem>>
    %dma_wait3A_196 = tpu.memref_squeeze %dma_wait3A_195 : memref<1x128xi32, #tpu.memory_space<vmem>> -> memref<128xi32, #tpu.memory_space<vmem>>
    %dma_wait3A_197 = arith.constant 0 : i32
    %dma_wait3A_198 = arith.constant 0 : i32
    %dma_wait3A_199 = tpu.memref_slice %arg2[%dma_wait3A_197, %dma_wait3A_198] : memref<500000x128xf32, #tpu.memory_space<hbm>> -> memref<500000x128xf32, #tpu.memory_space<hbm>>
    tpu.wait_indirect_dma semaphore(%arg14 : memref<!tpu.dma_semaphore, #tpu.memory_space<semaphore_mem>>) src(%dma_wait3A_199 : memref<500000x128xf32, #tpu.memory_space<hbm>>) dst(%dma_wait3A_193 : memref<128x128xf32, #tpu.memory_space<vmem>>)
    %dma_wait3A_200 = arith.constant 7 : i32
    %dma_wait3A_201 = arith.constant 384 : i32
    %dma_wait3A_202 = arith.constant 0 : i32
    %dma_wait3A_203 = tpu.memref_slice %arg10[%dma_wait3A_201, %dma_wait3A_202] : memref<512x128xf32, #tpu.memory_space<vmem>> -> memref<128x128xf32, #tpu.memory_space<vmem>>
    %dma_wait3A_204 = arith.constant 0 : i32
    %dma_wait3A_205 = tpu.memref_slice %arg8[%dma_wait3A_200, %dma_wait3A_204] : memref<8x128xi32, #tpu.memory_space<vmem>> -> memref<1x128xi32, #tpu.memory_space<vmem>>
    %dma_wait3A_206 = tpu.memref_squeeze %dma_wait3A_205 : memref<1x128xi32, #tpu.memory_space<vmem>> -> memref<128xi32, #tpu.memory_space<vmem>>
    %dma_wait3A_207 = arith.constant 0 : i32
    %dma_wait3A_208 = arith.constant 0 : i32
    %dma_wait3A_209 = tpu.memref_slice %arg2[%dma_wait3A_207, %dma_wait3A_208] : memref<500000x128xf32, #tpu.memory_space<hbm>> -> memref<500000x128xf32, #tpu.memory_space<hbm>>
    tpu.wait_indirect_dma semaphore(%arg14 : memref<!tpu.dma_semaphore, #tpu.memory_space<semaphore_mem>>) src(%dma_wait3A_209 : memref<500000x128xf32, #tpu.memory_space<hbm>>) dst(%dma_wait3A_203 : memref<128x128xf32, #tpu.memory_space<vmem>>)
    %scan3A_210 = arith.constant 0 : i32
    %scan3A_211 = arith.constant 0 : i32
    %scan3A_212 = arith.constant 128 : i32
    %scan3A_213 = arith.addi %scan3A_211, %scan3A_212 : i32
    %scan3A_214 = arith.constant 2 : i32
    scf.for %scan3A_218 = %scan3A_211 to %scan3A_213 step %scan3A_214  : i32 {
      %shift_left3A = arith.constant 1 : i32
      %shift_left3A_219 = arith.shli %scan3A_218, %shift_left3A : i32
      %add3A_220 = arith.constant 0 : i32
      %add3A_221 = arith.addi %shift_left3A_219, %add3A_220 : i32
      %add3A_222 = arith.constant 256 : i32
      %add3A_223 = arith.addi %add3A_222, %add3A_221 : i32
      %shift_left3A_224 = arith.constant 1 : i32
      %shift_left3A_225 = arith.shli %add3A_221, %shift_left3A_224 : i32
      %shift_right_logical3A = arith.constant 6 : i32
      %shift_right_logical3A_226 = arith.shrui %add3A_223, %shift_right_logical3A : i32
      %and3A = arith.constant 63 : i32
      %and3A_227 = arith.andi %add3A_223, %and3A : i32
      %shift_left3A_228 = arith.constant 1 : i32
      %shift_left3A_229 = arith.shli %and3A_227, %shift_left3A_228 : i32
      %broadcast_in_dim3A_230 = vector.broadcast %shift_right_logical3A_226 : i32 to vector<16xi32>
      %broadcast_in_dim3A_231 = vector.broadcast %shift_left3A_229 : i32 to vector<16xi32>
      %gather3A = tpu.vector_load_idx %arg9[%broadcast_in_dim3A_230, %broadcast_in_dim3A_231] : memref<8x128xi32, #tpu.memory_space<vmem>>[vector<16xi32>, vector<16xi32>], vector<16xi32>,
      %add3A_232 = arith.constant 1 : i32
      %add3A_233 = arith.addi %shift_left3A_229, %add3A_232 : i32
      %broadcast_in_dim3A_234 = vector.broadcast %add3A_233 : i32 to vector<16xi32>
      %gather3A_235 = tpu.vector_load_idx %arg9[%broadcast_in_dim3A_230, %broadcast_in_dim3A_234] : memref<8x128xi32, #tpu.memory_space<vmem>>[vector<16xi32>, vector<16xi32>], vector<16xi32>,
      %ne3A = arith.constant 0 : i32
      %ne3A_236 = vector.broadcast %ne3A : i32 to vector<16xi32>
      %ne3A_237 = arith.cmpi ne, %gather3A, %ne3A_236 : vector<16xi32>
      %ne3A_238 = arith.constant 0 : i32
      %ne3A_239 = vector.broadcast %ne3A_238 : i32 to vector<16xi32>
      %ne3A_240 = arith.cmpi ne, %gather3A_235, %ne3A_239 : vector<16xi32>
      %and3A_241 = arith.constant 1 : i32
      %and3A_242 = vector.broadcast %and3A_241 : i32 to vector<16xi32>
      %and3A_243 = arith.andi %gather3A, %and3A_242 : vector<16xi32>
      %shift_left3A_244 = arith.constant 6 : i32
      %shift_left3A_245 = vector.broadcast %shift_left3A_244 : i32 to vector<16xi32>
      %shift_left3A_246 = arith.shli %and3A_243, %shift_left3A_245 : vector<16xi32>
      %add3A_247 = arith.addi %shift_left3A_246, %iota3A : vector<16xi32>
      %and3A_248 = arith.constant 1 : i32
      %and3A_249 = vector.broadcast %and3A_248 : i32 to vector<16xi32>
      %and3A_250 = arith.andi %gather3A_235, %and3A_249 : vector<16xi32>
      %shift_left3A_251 = arith.constant 6 : i32
      %shift_left3A_252 = vector.broadcast %shift_left3A_251 : i32 to vector<16xi32>
      %shift_left3A_253 = arith.shli %and3A_250, %shift_left3A_252 : vector<16xi32>
      %add3A_254 = arith.addi %shift_left3A_253, %iota3A : vector<16xi32>
      %broadcast_in_dim3A_255 = vector.broadcast %shift_left3A_225 : i32 to vector<16xi32>
      %add3A_256 = arith.constant 1 : i32
      %add3A_257 = arith.addi %shift_left3A_225, %add3A_256 : i32
      %broadcast_in_dim3A_258 = vector.broadcast %add3A_257 : i32 to vector<16xi32>
      %add3A_259 = arith.constant 0 : i32
      %add3A_260 = vector.broadcast %add3A_259 : i32 to vector<16xi32>
      %add3A_261 = arith.addi %add3A_247, %add3A_260 : vector<16xi32>
      %gather3A_262 = tpu.vector_load_idx %arg10[%broadcast_in_dim3A_255, %add3A_261] : memref<512x128xf32, #tpu.memory_space<vmem>>[vector<16xi32>, vector<16xi32>], vector<16xf32>,
      %add3A_263 = arith.constant 0 : i32
      %add3A_264 = vector.broadcast %add3A_263 : i32 to vector<16xi32>
      %add3A_265 = arith.addi %add3A_254, %add3A_264 : vector<16xi32>
      %gather3A_266 = tpu.vector_load_idx %arg10[%broadcast_in_dim3A_258, %add3A_265] : memref<512x128xf32, #tpu.memory_space<vmem>>[vector<16xi32>, vector<16xi32>], vector<16xf32>,
      %select_n3A = arith.select %ne3A_237, %gather3A_262, %broadcast_in_dim3A_46 : vector<16xi1>, vector<16xf32>
      %mul3A_267 = arith.mulf %select_n3A, %mul3A_10 : vector<16xf32>
      %select_n3A_268 = arith.select %ne3A_240, %gather3A_266, %broadcast_in_dim3A_46 : vector<16xi1>, vector<16xf32>
      %mul3A_269 = arith.mulf %select_n3A_268, %mul3A_30 : vector<16xf32>
      %add3A_270 = arith.addf %mul3A_267, %mul3A_269 : vector<16xf32>
      %max3A = arith.maximumf %add3A_270, %broadcast_in_dim3A_46 : vector<16xf32>
      %add3A_271 = arith.constant 128 : i32
      %add3A_272 = arith.addi %add3A_271, %scan3A_218 : i32
      %swap3A = arith.index_cast %add3A_272 : i32 to index
      %swap3A_273 = arith.constant 0 : index
      %swap3A_274 = tpu.vector_load %arg11[%swap3A, %swap3A_273] {strides = array<i32>} : memref<256x128xf32, #tpu.memory_space<vmem>>, vector<16xf32>,
      tpu.vector_store %arg11[%swap3A, %swap3A_273], %max3A {strides = array<i32>} : memref<256x128xf32, #tpu.memory_space<vmem>>, vector<16xf32>,
      %add3A_275 = arith.constant 16 : i32
      %add3A_276 = vector.broadcast %add3A_275 : i32 to vector<16xi32>
      %add3A_277 = arith.addi %add3A_247, %add3A_276 : vector<16xi32>
      %gather3A_278 = tpu.vector_load_idx %arg10[%broadcast_in_dim3A_255, %add3A_277] : memref<512x128xf32, #tpu.memory_space<vmem>>[vector<16xi32>, vector<16xi32>], vector<16xf32>,
      %add3A_279 = arith.constant 16 : i32
      %add3A_280 = vector.broadcast %add3A_279 : i32 to vector<16xi32>
      %add3A_281 = arith.addi %add3A_254, %add3A_280 : vector<16xi32>
      %gather3A_282 = tpu.vector_load_idx %arg10[%broadcast_in_dim3A_258, %add3A_281] : memref<512x128xf32, #tpu.memory_space<vmem>>[vector<16xi32>, vector<16xi32>], vector<16xf32>,
      %select_n3A_283 = arith.select %ne3A_237, %gather3A_278, %broadcast_in_dim3A_46 : vector<16xi1>, vector<16xf32>
      %mul3A_284 = arith.mulf %select_n3A_283, %mul3A_15 : vector<16xf32>
      %select_n3A_285 = arith.select %ne3A_240, %gather3A_282, %broadcast_in_dim3A_46 : vector<16xi1>, vector<16xf32>
      %mul3A_286 = arith.mulf %select_n3A_285, %mul3A_35 : vector<16xf32>
      %add3A_287 = arith.addf %mul3A_284, %mul3A_286 : vector<16xf32>
      %max3A_288 = arith.maximumf %add3A_287, %broadcast_in_dim3A_46 : vector<16xf32>
      %add3A_289 = arith.constant 128 : i32
      %add3A_290 = arith.addi %add3A_289, %scan3A_218 : i32
      %swap3A_291 = arith.index_cast %add3A_290 : i32 to index
      %swap3A_292 = arith.constant 16 : index
      %swap3A_293 = tpu.vector_load %arg11[%swap3A_291, %swap3A_292] {strides = array<i32>} : memref<256x128xf32, #tpu.memory_space<vmem>>, vector<16xf32>,
      tpu.vector_store %arg11[%swap3A_291, %swap3A_292], %max3A_288 {strides = array<i32>} : memref<256x128xf32, #tpu.memory_space<vmem>>, vector<16xf32>,
      %add3A_294 = arith.constant 32 : i32
      %add3A_295 = vector.broadcast %add3A_294 : i32 to vector<16xi32>
      %add3A_296 = arith.addi %add3A_247, %add3A_295 : vector<16xi32>
      %gather3A_297 = tpu.vector_load_idx %arg10[%broadcast_in_dim3A_255, %add3A_296] : memref<512x128xf32, #tpu.memory_space<vmem>>[vector<16xi32>, vector<16xi32>], vector<16xf32>,
      %add3A_298 = arith.constant 32 : i32
      %add3A_299 = vector.broadcast %add3A_298 : i32 to vector<16xi32>
      %add3A_300 = arith.addi %add3A_254, %add3A_299 : vector<16xi32>
      %gather3A_301 = tpu.vector_load_idx %arg10[%broadcast_in_dim3A_258, %add3A_300] : memref<512x128xf32, #tpu.memory_space<vmem>>[vector<16xi32>, vector<16xi32>], vector<16xf32>,
      %select_n3A_302 = arith.select %ne3A_237, %gather3A_297, %broadcast_in_dim3A_46 : vector<16xi1>, vector<16xf32>
      %mul3A_303 = arith.mulf %select_n3A_302, %mul3A_20 : vector<16xf32>
      %select_n3A_304 = arith.select %ne3A_240, %gather3A_301, %broadcast_in_dim3A_46 : vector<16xi1>, vector<16xf32>
      %mul3A_305 = arith.mulf %select_n3A_304, %mul3A_40 : vector<16xf32>
      %add3A_306 = arith.addf %mul3A_303, %mul3A_305 : vector<16xf32>
      %max3A_307 = arith.maximumf %add3A_306, %broadcast_in_dim3A_46 : vector<16xf32>
      %add3A_308 = arith.constant 128 : i32
      %add3A_309 = arith.addi %add3A_308, %scan3A_218 : i32
      %swap3A_310 = arith.index_cast %add3A_309 : i32 to index
      %swap3A_311 = arith.constant 32 : index
      %swap3A_312 = tpu.vector_load %arg11[%swap3A_310, %swap3A_311] {strides = array<i32>} : memref<256x128xf32, #tpu.memory_space<vmem>>, vector<16xf32>,
      tpu.vector_store %arg11[%swap3A_310, %swap3A_311], %max3A_307 {strides = array<i32>} : memref<256x128xf32, #tpu.memory_space<vmem>>, vector<16xf32>,
      %add3A_313 = arith.constant 48 : i32
      %add3A_314 = vector.broadcast %add3A_313 : i32 to vector<16xi32>
      %add3A_315 = arith.addi %add3A_247, %add3A_314 : vector<16xi32>
      %gather3A_316 = tpu.vector_load_idx %arg10[%broadcast_in_dim3A_255, %add3A_315] : memref<512x128xf32, #tpu.memory_space<vmem>>[vector<16xi32>, vector<16xi32>], vector<16xf32>,
      %add3A_317 = arith.constant 48 : i32
      %add3A_318 = vector.broadcast %add3A_317 : i32 to vector<16xi32>
      %add3A_319 = arith.addi %add3A_254, %add3A_318 : vector<16xi32>
      %gather3A_320 = tpu.vector_load_idx %arg10[%broadcast_in_dim3A_258, %add3A_319] : memref<512x128xf32, #tpu.memory_space<vmem>>[vector<16xi32>, vector<16xi32>], vector<16xf32>,
      %select_n3A_321 = arith.select %ne3A_237, %gather3A_316, %broadcast_in_dim3A_46 : vector<16xi1>, vector<16xf32>
      %mul3A_322 = arith.mulf %select_n3A_321, %mul3A_25 : vector<16xf32>
      %select_n3A_323 = arith.select %ne3A_240, %gather3A_320, %broadcast_in_dim3A_46 : vector<16xi1>, vector<16xf32>
      %mul3A_324 = arith.mulf %select_n3A_323, %mul3A_45 : vector<16xf32>
      %add3A_325 = arith.addf %mul3A_322, %mul3A_324 : vector<16xf32>
      %max3A_326 = arith.maximumf %add3A_325, %broadcast_in_dim3A_46 : vector<16xf32>
      %add3A_327 = arith.constant 128 : i32
      %add3A_328 = arith.addi %add3A_327, %scan3A_218 : i32
      %swap3A_329 = arith.index_cast %add3A_328 : i32 to index
      %swap3A_330 = arith.constant 48 : index
      %swap3A_331 = tpu.vector_load %arg11[%swap3A_329, %swap3A_330] {strides = array<i32>} : memref<256x128xf32, #tpu.memory_space<vmem>>, vector<16xf32>,
      tpu.vector_store %arg11[%swap3A_329, %swap3A_330], %max3A_326 {strides = array<i32>} : memref<256x128xf32, #tpu.memory_space<vmem>>, vector<16xf32>,
      %shift_left3A_332 = arith.constant 1 : i32
      %shift_left3A_333 = arith.shli %scan3A_218, %shift_left3A_332 : i32
      %add3A_334 = arith.constant 1 : i32
      %add3A_335 = arith.addi %shift_left3A_333, %add3A_334 : i32
      %add3A_336 = arith.constant 256 : i32
      %add3A_337 = arith.addi %add3A_336, %add3A_335 : i32
      %shift_left3A_338 = arith.constant 1 : i32
      %shift_left3A_339 = arith.shli %add3A_335, %shift_left3A_338 : i32
      %shift_right_logical3A_340 = arith.constant 6 : i32
      %shift_right_logical3A_341 = arith.shrui %add3A_337, %shift_right_logical3A_340 : i32
      %and3A_342 = arith.constant 63 : i32
      %and3A_343 = arith.andi %add3A_337, %and3A_342 : i32
      %shift_left3A_344 = arith.constant 1 : i32
      %shift_left3A_345 = arith.shli %and3A_343, %shift_left3A_344 : i32
      %broadcast_in_dim3A_346 = vector.broadcast %shift_right_logical3A_341 : i32 to vector<16xi32>
      %broadcast_in_dim3A_347 = vector.broadcast %shift_left3A_345 : i32 to vector<16xi32>
      %gather3A_348 = tpu.vector_load_idx %arg9[%broadcast_in_dim3A_346, %broadcast_in_dim3A_347] : memref<8x128xi32, #tpu.memory_space<vmem>>[vector<16xi32>, vector<16xi32>], vector<16xi32>,
      %add3A_349 = arith.constant 1 : i32
      %add3A_350 = arith.addi %shift_left3A_345, %add3A_349 : i32
      %broadcast_in_dim3A_351 = vector.broadcast %add3A_350 : i32 to vector<16xi32>
      %gather3A_352 = tpu.vector_load_idx %arg9[%broadcast_in_dim3A_346, %broadcast_in_dim3A_351] : memref<8x128xi32, #tpu.memory_space<vmem>>[vector<16xi32>, vector<16xi32>], vector<16xi32>,
      %ne3A_353 = arith.constant 0 : i32
      %ne3A_354 = vector.broadcast %ne3A_353 : i32 to vector<16xi32>
      %ne3A_355 = arith.cmpi ne, %gather3A_348, %ne3A_354 : vector<16xi32>
      %ne3A_356 = arith.constant 0 : i32
      %ne3A_357 = vector.broadcast %ne3A_356 : i32 to vector<16xi32>
      %ne3A_358 = arith.cmpi ne, %gather3A_352, %ne3A_357 : vector<16xi32>
      %and3A_359 = arith.constant 1 : i32
      %and3A_360 = vector.broadcast %and3A_359 : i32 to vector<16xi32>
      %and3A_361 = arith.andi %gather3A_348, %and3A_360 : vector<16xi32>
      %shift_left3A_362 = arith.constant 6 : i32
      %shift_left3A_363 = vector.broadcast %shift_left3A_362 : i32 to vector<16xi32>
      %shift_left3A_364 = arith.shli %and3A_361, %shift_left3A_363 : vector<16xi32>
      %add3A_365 = arith.addi %shift_left3A_364, %iota3A : vector<16xi32>
      %and3A_366 = arith.constant 1 : i32
      %and3A_367 = vector.broadcast %and3A_366 : i32 to vector<16xi32>
      %and3A_368 = arith.andi %gather3A_352, %and3A_367 : vector<16xi32>
      %shift_left3A_369 = arith.constant 6 : i32
      %shift_left3A_370 = vector.broadcast %shift_left3A_369 : i32 to vector<16xi32>
      %shift_left3A_371 = arith.shli %and3A_368, %shift_left3A_370 : vector<16xi32>
      %add3A_372 = arith.addi %shift_left3A_371, %iota3A : vector<16xi32>
      %broadcast_in_dim3A_373 = vector.broadcast %shift_left3A_339 : i32 to vector<16xi32>
      %add3A_374 = arith.constant 1 : i32
      %add3A_375 = arith.addi %shift_left3A_339, %add3A_374 : i32
      %broadcast_in_dim3A_376 = vector.broadcast %add3A_375 : i32 to vector<16xi32>
      %add3A_377 = arith.constant 0 : i32
      %add3A_378 = vector.broadcast %add3A_377 : i32 to vector<16xi32>
      %add3A_379 = arith.addi %add3A_365, %add3A_378 : vector<16xi32>
      %gather3A_380 = tpu.vector_load_idx %arg10[%broadcast_in_dim3A_373, %add3A_379] : memref<512x128xf32, #tpu.memory_space<vmem>>[vector<16xi32>, vector<16xi32>], vector<16xf32>,
      %add3A_381 = arith.constant 0 : i32
      %add3A_382 = vector.broadcast %add3A_381 : i32 to vector<16xi32>
      %add3A_383 = arith.addi %add3A_372, %add3A_382 : vector<16xi32>
      %gather3A_384 = tpu.vector_load_idx %arg10[%broadcast_in_dim3A_376, %add3A_383] : memref<512x128xf32, #tpu.memory_space<vmem>>[vector<16xi32>, vector<16xi32>], vector<16xf32>,
      %select_n3A_385 = arith.select %ne3A_355, %gather3A_380, %broadcast_in_dim3A_46 : vector<16xi1>, vector<16xf32>
      %mul3A_386 = arith.mulf %select_n3A_385, %mul3A_10 : vector<16xf32>
      %select_n3A_387 = arith.select %ne3A_358, %gather3A_384, %broadcast_in_dim3A_46 : vector<16xi1>, vector<16xf32>
      %mul3A_388 = arith.mulf %select_n3A_387, %mul3A_30 : vector<16xf32>
      %add3A_389 = arith.addf %mul3A_386, %mul3A_388 : vector<16xf32>
      %max3A_390 = arith.maximumf %add3A_389, %broadcast_in_dim3A_46 : vector<16xf32>
      %add3A_391 = arith.constant 128 : i32
      %add3A_392 = arith.addi %add3A_391, %scan3A_218 : i32
      %swap3A_393 = arith.index_cast %add3A_392 : i32 to index
      %swap3A_394 = arith.constant 64 : index
      %swap3A_395 = tpu.vector_load %arg11[%swap3A_393, %swap3A_394] {strides = array<i32>} : memref<256x128xf32, #tpu.memory_space<vmem>>, vector<16xf32>,
      tpu.vector_store %arg11[%swap3A_393, %swap3A_394], %max3A_390 {strides = array<i32>} : memref<256x128xf32, #tpu.memory_space<vmem>>, vector<16xf32>,
      %add3A_396 = arith.constant 16 : i32
      %add3A_397 = vector.broadcast %add3A_396 : i32 to vector<16xi32>
      %add3A_398 = arith.addi %add3A_365, %add3A_397 : vector<16xi32>
      %gather3A_399 = tpu.vector_load_idx %arg10[%broadcast_in_dim3A_373, %add3A_398] : memref<512x128xf32, #tpu.memory_space<vmem>>[vector<16xi32>, vector<16xi32>], vector<16xf32>,
      %add3A_400 = arith.constant 16 : i32
      %add3A_401 = vector.broadcast %add3A_400 : i32 to vector<16xi32>
      %add3A_402 = arith.addi %add3A_372, %add3A_401 : vector<16xi32>
      %gather3A_403 = tpu.vector_load_idx %arg10[%broadcast_in_dim3A_376, %add3A_402] : memref<512x128xf32, #tpu.memory_space<vmem>>[vector<16xi32>, vector<16xi32>], vector<16xf32>,
      %select_n3A_404 = arith.select %ne3A_355, %gather3A_399, %broadcast_in_dim3A_46 : vector<16xi1>, vector<16xf32>
      %mul3A_405 = arith.mulf %select_n3A_404, %mul3A_15 : vector<16xf32>
      %select_n3A_406 = arith.select %ne3A_358, %gather3A_403, %broadcast_in_dim3A_46 : vector<16xi1>, vector<16xf32>
      %mul3A_407 = arith.mulf %select_n3A_406, %mul3A_35 : vector<16xf32>
      %add3A_408 = arith.addf %mul3A_405, %mul3A_407 : vector<16xf32>
      %max3A_409 = arith.maximumf %add3A_408, %broadcast_in_dim3A_46 : vector<16xf32>
      %add3A_410 = arith.constant 128 : i32
      %add3A_411 = arith.addi %add3A_410, %scan3A_218 : i32
      %swap3A_412 = arith.index_cast %add3A_411 : i32 to index
      %swap3A_413 = arith.constant 80 : index
      %swap3A_414 = tpu.vector_load %arg11[%swap3A_412, %swap3A_413] {strides = array<i32>} : memref<256x128xf32, #tpu.memory_space<vmem>>, vector<16xf32>,
      tpu.vector_store %arg11[%swap3A_412, %swap3A_413], %max3A_409 {strides = array<i32>} : memref<256x128xf32, #tpu.memory_space<vmem>>, vector<16xf32>,
      %add3A_415 = arith.constant 32 : i32
      %add3A_416 = vector.broadcast %add3A_415 : i32 to vector<16xi32>
      %add3A_417 = arith.addi %add3A_365, %add3A_416 : vector<16xi32>
      %gather3A_418 = tpu.vector_load_idx %arg10[%broadcast_in_dim3A_373, %add3A_417] : memref<512x128xf32, #tpu.memory_space<vmem>>[vector<16xi32>, vector<16xi32>], vector<16xf32>,
      %add3A_419 = arith.constant 32 : i32
      %add3A_420 = vector.broadcast %add3A_419 : i32 to vector<16xi32>
      %add3A_421 = arith.addi %add3A_372, %add3A_420 : vector<16xi32>
      %gather3A_422 = tpu.vector_load_idx %arg10[%broadcast_in_dim3A_376, %add3A_421] : memref<512x128xf32, #tpu.memory_space<vmem>>[vector<16xi32>, vector<16xi32>], vector<16xf32>,
      %select_n3A_423 = arith.select %ne3A_355, %gather3A_418, %broadcast_in_dim3A_46 : vector<16xi1>, vector<16xf32>
      %mul3A_424 = arith.mulf %select_n3A_423, %mul3A_20 : vector<16xf32>
      %select_n3A_425 = arith.select %ne3A_358, %gather3A_422, %broadcast_in_dim3A_46 : vector<16xi1>, vector<16xf32>
      %mul3A_426 = arith.mulf %select_n3A_425, %mul3A_40 : vector<16xf32>
      %add3A_427 = arith.addf %mul3A_424, %mul3A_426 : vector<16xf32>
      %max3A_428 = arith.maximumf %add3A_427, %broadcast_in_dim3A_46 : vector<16xf32>
      %add3A_429 = arith.constant 128 : i32
      %add3A_430 = arith.addi %add3A_429, %scan3A_218 : i32
      %swap3A_431 = arith.index_cast %add3A_430 : i32 to index
      %swap3A_432 = arith.constant 96 : index
      %swap3A_433 = tpu.vector_load %arg11[%swap3A_431, %swap3A_432] {strides = array<i32>} : memref<256x128xf32, #tpu.memory_space<vmem>>, vector<16xf32>,
      tpu.vector_store %arg11[%swap3A_431, %swap3A_432], %max3A_428 {strides = array<i32>} : memref<256x128xf32, #tpu.memory_space<vmem>>, vector<16xf32>,
      %add3A_434 = arith.constant 48 : i32
      %add3A_435 = vector.broadcast %add3A_434 : i32 to vector<16xi32>
      %add3A_436 = arith.addi %add3A_365, %add3A_435 : vector<16xi32>
      %gather3A_437 = tpu.vector_load_idx %arg10[%broadcast_in_dim3A_373, %add3A_436] : memref<512x128xf32, #tpu.memory_space<vmem>>[vector<16xi32>, vector<16xi32>], vector<16xf32>,
      %add3A_438 = arith.constant 48 : i32
      %add3A_439 = vector.broadcast %add3A_438 : i32 to vector<16xi32>
      %add3A_440 = arith.addi %add3A_372, %add3A_439 : vector<16xi32>
      %gather3A_441 = tpu.vector_load_idx %arg10[%broadcast_in_dim3A_376, %add3A_440] : memref<512x128xf32, #tpu.memory_space<vmem>>[vector<16xi32>, vector<16xi32>], vector<16xf32>,
      %select_n3A_442 = arith.select %ne3A_355, %gather3A_437, %broadcast_in_dim3A_46 : vector<16xi1>, vector<16xf32>
      %mul3A_443 = arith.mulf %select_n3A_442, %mul3A_25 : vector<16xf32>
      %select_n3A_444 = arith.select %ne3A_358, %gather3A_441, %broadcast_in_dim3A_46 : vector<16xi1>, vector<16xf32>
      %mul3A_445 = arith.mulf %select_n3A_444, %mul3A_45 : vector<16xf32>
      %add3A_446 = arith.addf %mul3A_443, %mul3A_445 : vector<16xf32>
      %max3A_447 = arith.maximumf %add3A_446, %broadcast_in_dim3A_46 : vector<16xf32>
      %add3A_448 = arith.constant 128 : i32
      %add3A_449 = arith.addi %add3A_448, %scan3A_218 : i32
      %swap3A_450 = arith.index_cast %add3A_449 : i32 to index
      %swap3A_451 = arith.constant 112 : index
      %swap3A_452 = tpu.vector_load %arg11[%swap3A_450, %swap3A_451] {strides = array<i32>} : memref<256x128xf32, #tpu.memory_space<vmem>>, vector<16xf32>,
      tpu.vector_store %arg11[%swap3A_450, %swap3A_451], %max3A_447 {strides = array<i32>} : memref<256x128xf32, #tpu.memory_space<vmem>>, vector<16xf32>,
      %scan3A_453 = arith.constant 1 : i32
      %scan3A_454 = arith.addi %scan3A_218, %scan3A_453 : i32
      %shift_left3A_455 = arith.constant 1 : i32
      %shift_left3A_456 = arith.shli %scan3A_454, %shift_left3A_455 : i32
      %add3A_457 = arith.constant 0 : i32
      %add3A_458 = arith.addi %shift_left3A_456, %add3A_457 : i32
      %add3A_459 = arith.constant 256 : i32
      %add3A_460 = arith.addi %add3A_459, %add3A_458 : i32
      %shift_left3A_461 = arith.constant 1 : i32
      %shift_left3A_462 = arith.shli %add3A_458, %shift_left3A_461 : i32
      %shift_right_logical3A_463 = arith.constant 6 : i32
      %shift_right_logical3A_464 = arith.shrui %add3A_460, %shift_right_logical3A_463 : i32
      %and3A_465 = arith.constant 63 : i32
      %and3A_466 = arith.andi %add3A_460, %and3A_465 : i32
      %shift_left3A_467 = arith.constant 1 : i32
      %shift_left3A_468 = arith.shli %and3A_466, %shift_left3A_467 : i32
      %broadcast_in_dim3A_469 = vector.broadcast %shift_right_logical3A_464 : i32 to vector<16xi32>
      %broadcast_in_dim3A_470 = vector.broadcast %shift_left3A_468 : i32 to vector<16xi32>
      %gather3A_471 = tpu.vector_load_idx %arg9[%broadcast_in_dim3A_469, %broadcast_in_dim3A_470] : memref<8x128xi32, #tpu.memory_space<vmem>>[vector<16xi32>, vector<16xi32>], vector<16xi32>,
      %add3A_472 = arith.constant 1 : i32
      %add3A_473 = arith.addi %shift_left3A_468, %add3A_472 : i32
      %broadcast_in_dim3A_474 = vector.broadcast %add3A_473 : i32 to vector<16xi32>
      %gather3A_475 = tpu.vector_load_idx %arg9[%broadcast_in_dim3A_469, %broadcast_in_dim3A_474] : memref<8x128xi32, #tpu.memory_space<vmem>>[vector<16xi32>, vector<16xi32>], vector<16xi32>,
      %ne3A_476 = arith.constant 0 : i32
      %ne3A_477 = vector.broadcast %ne3A_476 : i32 to vector<16xi32>
      %ne3A_478 = arith.cmpi ne, %gather3A_471, %ne3A_477 : vector<16xi32>
      %ne3A_479 = arith.constant 0 : i32
      %ne3A_480 = vector.broadcast %ne3A_479 : i32 to vector<16xi32>
      %ne3A_481 = arith.cmpi ne, %gather3A_475, %ne3A_480 : vector<16xi32>
      %and3A_482 = arith.constant 1 : i32
      %and3A_483 = vector.broadcast %and3A_482 : i32 to vector<16xi32>
      %and3A_484 = arith.andi %gather3A_471, %and3A_483 : vector<16xi32>
      %shift_left3A_485 = arith.constant 6 : i32
      %shift_left3A_486 = vector.broadcast %shift_left3A_485 : i32 to vector<16xi32>
      %shift_left3A_487 = arith.shli %and3A_484, %shift_left3A_486 : vector<16xi32>
      %add3A_488 = arith.addi %shift_left3A_487, %iota3A : vector<16xi32>
      %and3A_489 = arith.constant 1 : i32
      %and3A_490 = vector.broadcast %and3A_489 : i32 to vector<16xi32>
      %and3A_491 = arith.andi %gather3A_475, %and3A_490 : vector<16xi32>
      %shift_left3A_492 = arith.constant 6 : i32
      %shift_left3A_493 = vector.broadcast %shift_left3A_492 : i32 to vector<16xi32>
      %shift_left3A_494 = arith.shli %and3A_491, %shift_left3A_493 : vector<16xi32>
      %add3A_495 = arith.addi %shift_left3A_494, %iota3A : vector<16xi32>
      %broadcast_in_dim3A_496 = vector.broadcast %shift_left3A_462 : i32 to vector<16xi32>
      %add3A_497 = arith.constant 1 : i32
      %add3A_498 = arith.addi %shift_left3A_462, %add3A_497 : i32
      %broadcast_in_dim3A_499 = vector.broadcast %add3A_498 : i32 to vector<16xi32>
      %add3A_500 = arith.constant 0 : i32
      %add3A_501 = vector.broadcast %add3A_500 : i32 to vector<16xi32>
      %add3A_502 = arith.addi %add3A_488, %add3A_501 : vector<16xi32>
      %gather3A_503 = tpu.vector_load_idx %arg10[%broadcast_in_dim3A_496, %add3A_502] : memref<512x128xf32, #tpu.memory_space<vmem>>[vector<16xi32>, vector<16xi32>], vector<16xf32>,
      %add3A_504 = arith.constant 0 : i32
      %add3A_505 = vector.broadcast %add3A_504 : i32 to vector<16xi32>
      %add3A_506 = arith.addi %add3A_495, %add3A_505 : vector<16xi32>
      %gather3A_507 = tpu.vector_load_idx %arg10[%broadcast_in_dim3A_499, %add3A_506] : memref<512x128xf32, #tpu.memory_space<vmem>>[vector<16xi32>, vector<16xi32>], vector<16xf32>,
      %select_n3A_508 = arith.select %ne3A_478, %gather3A_503, %broadcast_in_dim3A_46 : vector<16xi1>, vector<16xf32>
      %mul3A_509 = arith.mulf %select_n3A_508, %mul3A_10 : vector<16xf32>
      %select_n3A_510 = arith.select %ne3A_481, %gather3A_507, %broadcast_in_dim3A_46 : vector<16xi1>, vector<16xf32>
      %mul3A_511 = arith.mulf %select_n3A_510, %mul3A_30 : vector<16xf32>
      %add3A_512 = arith.addf %mul3A_509, %mul3A_511 : vector<16xf32>
      %max3A_513 = arith.maximumf %add3A_512, %broadcast_in_dim3A_46 : vector<16xf32>
      %add3A_514 = arith.constant 128 : i32
      %add3A_515 = arith.addi %add3A_514, %scan3A_454 : i32
      %swap3A_516 = arith.index_cast %add3A_515 : i32 to index
      %swap3A_517 = arith.constant 0 : index
      %swap3A_518 = tpu.vector_load %arg11[%swap3A_516, %swap3A_517] {strides = array<i32>} : memref<256x128xf32, #tpu.memory_space<vmem>>, vector<16xf32>,
      tpu.vector_store %arg11[%swap3A_516, %swap3A_517], %max3A_513 {strides = array<i32>} : memref<256x128xf32, #tpu.memory_space<vmem>>, vector<16xf32>,
      %add3A_519 = arith.constant 16 : i32
      %add3A_520 = vector.broadcast %add3A_519 : i32 to vector<16xi32>
      %add3A_521 = arith.addi %add3A_488, %add3A_520 : vector<16xi32>
      %gather3A_522 = tpu.vector_load_idx %arg10[%broadcast_in_dim3A_496, %add3A_521] : memref<512x128xf32, #tpu.memory_space<vmem>>[vector<16xi32>, vector<16xi32>], vector<16xf32>,
      %add3A_523 = arith.constant 16 : i32
      %add3A_524 = vector.broadcast %add3A_523 : i32 to vector<16xi32>
      %add3A_525 = arith.addi %add3A_495, %add3A_524 : vector<16xi32>
      %gather3A_526 = tpu.vector_load_idx %arg10[%broadcast_in_dim3A_499, %add3A_525] : memref<512x128xf32, #tpu.memory_space<vmem>>[vector<16xi32>, vector<16xi32>], vector<16xf32>,
      %select_n3A_527 = arith.select %ne3A_478, %gather3A_522, %broadcast_in_dim3A_46 : vector<16xi1>, vector<16xf32>
      %mul3A_528 = arith.mulf %select_n3A_527, %mul3A_15 : vector<16xf32>
      %select_n3A_529 = arith.select %ne3A_481, %gather3A_526, %broadcast_in_dim3A_46 : vector<16xi1>, vector<16xf32>
      %mul3A_530 = arith.mulf %select_n3A_529, %mul3A_35 : vector<16xf32>
      %add3A_531 = arith.addf %mul3A_528, %mul3A_530 : vector<16xf32>
      %max3A_532 = arith.maximumf %add3A_531, %broadcast_in_dim3A_46 : vector<16xf32>
      %add3A_533 = arith.constant 128 : i32
      %add3A_534 = arith.addi %add3A_533, %scan3A_454 : i32
      %swap3A_535 = arith.index_cast %add3A_534 : i32 to index
      %swap3A_536 = arith.constant 16 : index
      %swap3A_537 = tpu.vector_load %arg11[%swap3A_535, %swap3A_536] {strides = array<i32>} : memref<256x128xf32, #tpu.memory_space<vmem>>, vector<16xf32>,
      tpu.vector_store %arg11[%swap3A_535, %swap3A_536], %max3A_532 {strides = array<i32>} : memref<256x128xf32, #tpu.memory_space<vmem>>, vector<16xf32>,
      %add3A_538 = arith.constant 32 : i32
      %add3A_539 = vector.broadcast %add3A_538 : i32 to vector<16xi32>
      %add3A_540 = arith.addi %add3A_488, %add3A_539 : vector<16xi32>
      %gather3A_541 = tpu.vector_load_idx %arg10[%broadcast_in_dim3A_496, %add3A_540] : memref<512x128xf32, #tpu.memory_space<vmem>>[vector<16xi32>, vector<16xi32>], vector<16xf32>,
      %add3A_542 = arith.constant 32 : i32
      %add3A_543 = vector.broadcast %add3A_542 : i32 to vector<16xi32>
      %add3A_544 = arith.addi %add3A_495, %add3A_543 : vector<16xi32>
      %gather3A_545 = tpu.vector_load_idx %arg10[%broadcast_in_dim3A_499, %add3A_544] : memref<512x128xf32, #tpu.memory_space<vmem>>[vector<16xi32>, vector<16xi32>], vector<16xf32>,
      %select_n3A_546 = arith.select %ne3A_478, %gather3A_541, %broadcast_in_dim3A_46 : vector<16xi1>, vector<16xf32>
      %mul3A_547 = arith.mulf %select_n3A_546, %mul3A_20 : vector<16xf32>
      %select_n3A_548 = arith.select %ne3A_481, %gather3A_545, %broadcast_in_dim3A_46 : vector<16xi1>, vector<16xf32>
      %mul3A_549 = arith.mulf %select_n3A_548, %mul3A_40 : vector<16xf32>
      %add3A_550 = arith.addf %mul3A_547, %mul3A_549 : vector<16xf32>
      %max3A_551 = arith.maximumf %add3A_550, %broadcast_in_dim3A_46 : vector<16xf32>
      %add3A_552 = arith.constant 128 : i32
      %add3A_553 = arith.addi %add3A_552, %scan3A_454 : i32
      %swap3A_554 = arith.index_cast %add3A_553 : i32 to index
      %swap3A_555 = arith.constant 32 : index
      %swap3A_556 = tpu.vector_load %arg11[%swap3A_554, %swap3A_555] {strides = array<i32>} : memref<256x128xf32, #tpu.memory_space<vmem>>, vector<16xf32>,
      tpu.vector_store %arg11[%swap3A_554, %swap3A_555], %max3A_551 {strides = array<i32>} : memref<256x128xf32, #tpu.memory_space<vmem>>, vector<16xf32>,
      %add3A_557 = arith.constant 48 : i32
      %add3A_558 = vector.broadcast %add3A_557 : i32 to vector<16xi32>
      %add3A_559 = arith.addi %add3A_488, %add3A_558 : vector<16xi32>
      %gather3A_560 = tpu.vector_load_idx %arg10[%broadcast_in_dim3A_496, %add3A_559] : memref<512x128xf32, #tpu.memory_space<vmem>>[vector<16xi32>, vector<16xi32>], vector<16xf32>,
      %add3A_561 = arith.constant 48 : i32
      %add3A_562 = vector.broadcast %add3A_561 : i32 to vector<16xi32>
      %add3A_563 = arith.addi %add3A_495, %add3A_562 : vector<16xi32>
      %gather3A_564 = tpu.vector_load_idx %arg10[%broadcast_in_dim3A_499, %add3A_563] : memref<512x128xf32, #tpu.memory_space<vmem>>[vector<16xi32>, vector<16xi32>], vector<16xf32>,
      %select_n3A_565 = arith.select %ne3A_478, %gather3A_560, %broadcast_in_dim3A_46 : vector<16xi1>, vector<16xf32>
      %mul3A_566 = arith.mulf %select_n3A_565, %mul3A_25 : vector<16xf32>
      %select_n3A_567 = arith.select %ne3A_481, %gather3A_564, %broadcast_in_dim3A_46 : vector<16xi1>, vector<16xf32>
      %mul3A_568 = arith.mulf %select_n3A_567, %mul3A_45 : vector<16xf32>
      %add3A_569 = arith.addf %mul3A_566, %mul3A_568 : vector<16xf32>
      %max3A_570 = arith.maximumf %add3A_569, %broadcast_in_dim3A_46 : vector<16xf32>
      %add3A_571 = arith.constant 128 : i32
      %add3A_572 = arith.addi %add3A_571, %scan3A_454 : i32
      %swap3A_573 = arith.index_cast %add3A_572 : i32 to index
      %swap3A_574 = arith.constant 48 : index
      %swap3A_575 = tpu.vector_load %arg11[%swap3A_573, %swap3A_574] {strides = array<i32>} : memref<256x128xf32, #tpu.memory_space<vmem>>, vector<16xf32>,
      tpu.vector_store %arg11[%swap3A_573, %swap3A_574], %max3A_570 {strides = array<i32>} : memref<256x128xf32, #tpu.memory_space<vmem>>, vector<16xf32>,
      %shift_left3A_576 = arith.constant 1 : i32
      %shift_left3A_577 = arith.shli %scan3A_454, %shift_left3A_576 : i32
      %add3A_578 = arith.constant 1 : i32
      %add3A_579 = arith.addi %shift_left3A_577, %add3A_578 : i32
      %add3A_580 = arith.constant 256 : i32
      %add3A_581 = arith.addi %add3A_580, %add3A_579 : i32
      %shift_left3A_582 = arith.constant 1 : i32
      %shift_left3A_583 = arith.shli %add3A_579, %shift_left3A_582 : i32
      %shift_right_logical3A_584 = arith.constant 6 : i32
      %shift_right_logical3A_585 = arith.shrui %add3A_581, %shift_right_logical3A_584 : i32
      %and3A_586 = arith.constant 63 : i32
      %and3A_587 = arith.andi %add3A_581, %and3A_586 : i32
      %shift_left3A_588 = arith.constant 1 : i32
      %shift_left3A_589 = arith.shli %and3A_587, %shift_left3A_588 : i32
      %broadcast_in_dim3A_590 = vector.broadcast %shift_right_logical3A_585 : i32 to vector<16xi32>
      %broadcast_in_dim3A_591 = vector.broadcast %shift_left3A_589 : i32 to vector<16xi32>
      %gather3A_592 = tpu.vector_load_idx %arg9[%broadcast_in_dim3A_590, %broadcast_in_dim3A_591] : memref<8x128xi32, #tpu.memory_space<vmem>>[vector<16xi32>, vector<16xi32>], vector<16xi32>,
      %add3A_593 = arith.constant 1 : i32
      %add3A_594 = arith.addi %shift_left3A_589, %add3A_593 : i32
      %broadcast_in_dim3A_595 = vector.broadcast %add3A_594 : i32 to vector<16xi32>
      %gather3A_596 = tpu.vector_load_idx %arg9[%broadcast_in_dim3A_590, %broadcast_in_dim3A_595] : memref<8x128xi32, #tpu.memory_space<vmem>>[vector<16xi32>, vector<16xi32>], vector<16xi32>,
      %ne3A_597 = arith.constant 0 : i32
      %ne3A_598 = vector.broadcast %ne3A_597 : i32 to vector<16xi32>
      %ne3A_599 = arith.cmpi ne, %gather3A_592, %ne3A_598 : vector<16xi32>
      %ne3A_600 = arith.constant 0 : i32
      %ne3A_601 = vector.broadcast %ne3A_600 : i32 to vector<16xi32>
      %ne3A_602 = arith.cmpi ne, %gather3A_596, %ne3A_601 : vector<16xi32>
      %and3A_603 = arith.constant 1 : i32
      %and3A_604 = vector.broadcast %and3A_603 : i32 to vector<16xi32>
      %and3A_605 = arith.andi %gather3A_592, %and3A_604 : vector<16xi32>
      %shift_left3A_606 = arith.constant 6 : i32
      %shift_left3A_607 = vector.broadcast %shift_left3A_606 : i32 to vector<16xi32>
      %shift_left3A_608 = arith.shli %and3A_605, %shift_left3A_607 : vector<16xi32>
      %add3A_609 = arith.addi %shift_left3A_608, %iota3A : vector<16xi32>
      %and3A_610 = arith.constant 1 : i32
      %and3A_611 = vector.broadcast %and3A_610 : i32 to vector<16xi32>
      %and3A_612 = arith.andi %gather3A_596, %and3A_611 : vector<16xi32>
      %shift_left3A_613 = arith.constant 6 : i32
      %shift_left3A_614 = vector.broadcast %shift_left3A_613 : i32 to vector<16xi32>
      %shift_left3A_615 = arith.shli %and3A_612, %shift_left3A_614 : vector<16xi32>
      %add3A_616 = arith.addi %shift_left3A_615, %iota3A : vector<16xi32>
      %broadcast_in_dim3A_617 = vector.broadcast %shift_left3A_583 : i32 to vector<16xi32>
      %add3A_618 = arith.constant 1 : i32
      %add3A_619 = arith.addi %shift_left3A_583, %add3A_618 : i32
      %broadcast_in_dim3A_620 = vector.broadcast %add3A_619 : i32 to vector<16xi32>
      %add3A_621 = arith.constant 0 : i32
      %add3A_622 = vector.broadcast %add3A_621 : i32 to vector<16xi32>
      %add3A_623 = arith.addi %add3A_609, %add3A_622 : vector<16xi32>
      %gather3A_624 = tpu.vector_load_idx %arg10[%broadcast_in_dim3A_617, %add3A_623] : memref<512x128xf32, #tpu.memory_space<vmem>>[vector<16xi32>, vector<16xi32>], vector<16xf32>,
      %add3A_625 = arith.constant 0 : i32
      %add3A_626 = vector.broadcast %add3A_625 : i32 to vector<16xi32>
      %add3A_627 = arith.addi %add3A_616, %add3A_626 : vector<16xi32>
      %gather3A_628 = tpu.vector_load_idx %arg10[%broadcast_in_dim3A_620, %add3A_627] : memref<512x128xf32, #tpu.memory_space<vmem>>[vector<16xi32>, vector<16xi32>], vector<16xf32>,
      %select_n3A_629 = arith.select %ne3A_599, %gather3A_624, %broadcast_in_dim3A_46 : vector<16xi1>, vector<16xf32>
      %mul3A_630 = arith.mulf %select_n3A_629, %mul3A_10 : vector<16xf32>
      %select_n3A_631 = arith.select %ne3A_602, %gather3A_628, %broadcast_in_dim3A_46 : vector<16xi1>, vector<16xf32>
      %mul3A_632 = arith.mulf %select_n3A_631, %mul3A_30 : vector<16xf32>
      %add3A_633 = arith.addf %mul3A_630, %mul3A_632 : vector<16xf32>
      %max3A_634 = arith.maximumf %add3A_633, %broadcast_in_dim3A_46 : vector<16xf32>
      %add3A_635 = arith.constant 128 : i32
      %add3A_636 = arith.addi %add3A_635, %scan3A_454 : i32
      %swap3A_637 = arith.index_cast %add3A_636 : i32 to index
      %swap3A_638 = arith.constant 64 : index
      %swap3A_639 = tpu.vector_load %arg11[%swap3A_637, %swap3A_638] {strides = array<i32>} : memref<256x128xf32, #tpu.memory_space<vmem>>, vector<16xf32>,
      tpu.vector_store %arg11[%swap3A_637, %swap3A_638], %max3A_634 {strides = array<i32>} : memref<256x128xf32, #tpu.memory_space<vmem>>, vector<16xf32>,
      %add3A_640 = arith.constant 16 : i32
      %add3A_641 = vector.broadcast %add3A_640 : i32 to vector<16xi32>
      %add3A_642 = arith.addi %add3A_609, %add3A_641 : vector<16xi32>
      %gather3A_643 = tpu.vector_load_idx %arg10[%broadcast_in_dim3A_617, %add3A_642] : memref<512x128xf32, #tpu.memory_space<vmem>>[vector<16xi32>, vector<16xi32>], vector<16xf32>,
      %add3A_644 = arith.constant 16 : i32
      %add3A_645 = vector.broadcast %add3A_644 : i32 to vector<16xi32>
      %add3A_646 = arith.addi %add3A_616, %add3A_645 : vector<16xi32>
      %gather3A_647 = tpu.vector_load_idx %arg10[%broadcast_in_dim3A_620, %add3A_646] : memref<512x128xf32, #tpu.memory_space<vmem>>[vector<16xi32>, vector<16xi32>], vector<16xf32>,
      %select_n3A_648 = arith.select %ne3A_599, %gather3A_643, %broadcast_in_dim3A_46 : vector<16xi1>, vector<16xf32>
      %mul3A_649 = arith.mulf %select_n3A_648, %mul3A_15 : vector<16xf32>
      %select_n3A_650 = arith.select %ne3A_602, %gather3A_647, %broadcast_in_dim3A_46 : vector<16xi1>, vector<16xf32>
      %mul3A_651 = arith.mulf %select_n3A_650, %mul3A_35 : vector<16xf32>
      %add3A_652 = arith.addf %mul3A_649, %mul3A_651 : vector<16xf32>
      %max3A_653 = arith.maximumf %add3A_652, %broadcast_in_dim3A_46 : vector<16xf32>
      %add3A_654 = arith.constant 128 : i32
      %add3A_655 = arith.addi %add3A_654, %scan3A_454 : i32
      %swap3A_656 = arith.index_cast %add3A_655 : i32 to index
      %swap3A_657 = arith.constant 80 : index
      %swap3A_658 = tpu.vector_load %arg11[%swap3A_656, %swap3A_657] {strides = array<i32>} : memref<256x128xf32, #tpu.memory_space<vmem>>, vector<16xf32>,
      tpu.vector_store %arg11[%swap3A_656, %swap3A_657], %max3A_653 {strides = array<i32>} : memref<256x128xf32, #tpu.memory_space<vmem>>, vector<16xf32>,
      %add3A_659 = arith.constant 32 : i32
      %add3A_660 = vector.broadcast %add3A_659 : i32 to vector<16xi32>
      %add3A_661 = arith.addi %add3A_609, %add3A_660 : vector<16xi32>
      %gather3A_662 = tpu.vector_load_idx %arg10[%broadcast_in_dim3A_617, %add3A_661] : memref<512x128xf32, #tpu.memory_space<vmem>>[vector<16xi32>, vector<16xi32>], vector<16xf32>,
      %add3A_663 = arith.constant 32 : i32
      %add3A_664 = vector.broadcast %add3A_663 : i32 to vector<16xi32>
      %add3A_665 = arith.addi %add3A_616, %add3A_664 : vector<16xi32>
      %gather3A_666 = tpu.vector_load_idx %arg10[%broadcast_in_dim3A_620, %add3A_665] : memref<512x128xf32, #tpu.memory_space<vmem>>[vector<16xi32>, vector<16xi32>], vector<16xf32>,
      %select_n3A_667 = arith.select %ne3A_599, %gather3A_662, %broadcast_in_dim3A_46 : vector<16xi1>, vector<16xf32>
      %mul3A_668 = arith.mulf %select_n3A_667, %mul3A_20 : vector<16xf32>
      %select_n3A_669 = arith.select %ne3A_602, %gather3A_666, %broadcast_in_dim3A_46 : vector<16xi1>, vector<16xf32>
      %mul3A_670 = arith.mulf %select_n3A_669, %mul3A_40 : vector<16xf32>
      %add3A_671 = arith.addf %mul3A_668, %mul3A_670 : vector<16xf32>
      %max3A_672 = arith.maximumf %add3A_671, %broadcast_in_dim3A_46 : vector<16xf32>
      %add3A_673 = arith.constant 128 : i32
      %add3A_674 = arith.addi %add3A_673, %scan3A_454 : i32
      %swap3A_675 = arith.index_cast %add3A_674 : i32 to index
      %swap3A_676 = arith.constant 96 : index
      %swap3A_677 = tpu.vector_load %arg11[%swap3A_675, %swap3A_676] {strides = array<i32>} : memref<256x128xf32, #tpu.memory_space<vmem>>, vector<16xf32>,
      tpu.vector_store %arg11[%swap3A_675, %swap3A_676], %max3A_672 {strides = array<i32>} : memref<256x128xf32, #tpu.memory_space<vmem>>, vector<16xf32>,
      %add3A_678 = arith.constant 48 : i32
      %add3A_679 = vector.broadcast %add3A_678 : i32 to vector<16xi32>
      %add3A_680 = arith.addi %add3A_609, %add3A_679 : vector<16xi32>
      %gather3A_681 = tpu.vector_load_idx %arg10[%broadcast_in_dim3A_617, %add3A_680] : memref<512x128xf32, #tpu.memory_space<vmem>>[vector<16xi32>, vector<16xi32>], vector<16xf32>,
      %add3A_682 = arith.constant 48 : i32
      %add3A_683 = vector.broadcast %add3A_682 : i32 to vector<16xi32>
      %add3A_684 = arith.addi %add3A_616, %add3A_683 : vector<16xi32>
      %gather3A_685 = tpu.vector_load_idx %arg10[%broadcast_in_dim3A_620, %add3A_684] : memref<512x128xf32, #tpu.memory_space<vmem>>[vector<16xi32>, vector<16xi32>], vector<16xf32>,
      %select_n3A_686 = arith.select %ne3A_599, %gather3A_681, %broadcast_in_dim3A_46 : vector<16xi1>, vector<16xf32>
      %mul3A_687 = arith.mulf %select_n3A_686, %mul3A_25 : vector<16xf32>
      %select_n3A_688 = arith.select %ne3A_602, %gather3A_685, %broadcast_in_dim3A_46 : vector<16xi1>, vector<16xf32>
      %mul3A_689 = arith.mulf %select_n3A_688, %mul3A_45 : vector<16xf32>
      %add3A_690 = arith.addf %mul3A_687, %mul3A_689 : vector<16xf32>
      %max3A_691 = arith.maximumf %add3A_690, %broadcast_in_dim3A_46 : vector<16xf32>
      %add3A_692 = arith.constant 128 : i32
      %add3A_693 = arith.addi %add3A_692, %scan3A_454 : i32
      %swap3A_694 = arith.index_cast %add3A_693 : i32 to index
      %swap3A_695 = arith.constant 112 : index
      %swap3A_696 = tpu.vector_load %arg11[%swap3A_694, %swap3A_695] {strides = array<i32>} : memref<256x128xf32, #tpu.memory_space<vmem>>, vector<16xf32>,
      tpu.vector_store %arg11[%swap3A_694, %swap3A_695], %max3A_691 {strides = array<i32>} : memref<256x128xf32, #tpu.memory_space<vmem>>, vector<16xf32>,
    }
    %scan3A_215 = arith.constant 128 : i32
    %mul3A_216 = arith.constant 256 : i32
    %mul3A_217 = arith.muli %add3A, %mul3A_216 : i32
    "tpu.region"() ({
      %run_scoped3A = tpu.sem_alloc : memref<!tpu.dma_semaphore, #tpu.memory_space<semaphore_mem>>
      %dma_start3A_218 = arith.constant 0 : i32
      %dma_start3A_219 = tpu.memref_slice %arg7[%mul3A_217, %dma_start3A_218] : memref<8192x128xf32, #tpu.memory_space<hbm>> -> memref<256x128xf32, #tpu.memory_space<hbm>>
      %dma_start3A_220 = arith.constant 0 : i32
      %dma_start3A_221 = tpu.memref_slice %arg7[%mul3A_217, %dma_start3A_220] : memref<8192x128xf32, #tpu.memory_space<hbm>> -> memref<256x128xf32, #tpu.memory_space<hbm>>
      tpu.enqueue_dma source(%arg11 : memref<256x128xf32, #tpu.memory_space<vmem>>) target(%dma_start3A_221 : memref<256x128xf32, #tpu.memory_space<hbm>>) target_semaphore(%run_scoped3A : memref<!tpu.dma_semaphore, #tpu.memory_space<semaphore_mem>>)
      %dma_wait3A_222 = arith.constant 0 : i32
      %dma_wait3A_223 = tpu.memref_slice %arg7[%mul3A_217, %dma_wait3A_222] : memref<8192x128xf32, #tpu.memory_space<hbm>> -> memref<256x128xf32, #tpu.memory_space<hbm>>
      %dma_wait3A_224 = arith.constant 0 : i32
      %dma_wait3A_225 = tpu.memref_slice %arg7[%mul3A_217, %dma_wait3A_224] : memref<8192x128xf32, #tpu.memory_space<hbm>> -> memref<256x128xf32, #tpu.memory_space<hbm>>
      tpu.wait_dma2 semaphore(%run_scoped3A : memref<!tpu.dma_semaphore, #tpu.memory_space<semaphore_mem>>) src(%arg11 : memref<256x128xf32, #tpu.memory_space<vmem>>) dst(%dma_wait3A_225 : memref<256x128xf32, #tpu.memory_space<hbm>>)
      tpu.yield
    }) : () -> ()
    return
  }
}

</mosaic_0001>

<sc_bundles>
// kernel: kernel.3.cloned.1.call-start
scs
__scs_entry_jumppad:
0x0: {  	(pc) =	sbr.rel $0x88, $3  }
0x1: {  	(tag) =	ssettag $0x0;
	lr =	simm.s32 $0x1  }
0x2: {  	[smem:$0x3F9C] =	sst lr;
	_ =	strace $0xD0000000  }
0x3: {  	_ = 	snop  }
0x4: {  	_ = 	snop  }
0x5: {  	_ = 	snop  }
0x6: {  	_ = 	snop  }
0x7: {  	_ = 	snop  }
__scs_overlays_trampoline_lowered:
0x8: {  	[smem:$0x3FAB] =	sst s0  }
0x9: {  	[smem:$0x3FAC] =	sst s1  }
0xa: {  	[smem:$0x3FAD] =	sst s2  }
0xb: {  	[smem:$0x3FAE] =	sst s3  }
0xc: {  	[smem:$0x3FAF] =	sst s4  }
0xd: {  	[smem:$0x3FB0] =	sst s5  }
0xe: {  	[smem:$0x3FB1] =	sst s6  }
0xf: {  	[smem:$0x3FB2] =	sst s7  }
0x10: {  	[smem:$0x3FB3] =	sst s8  }
0x11: {  	[smem:$0x3FB4] =	sst s9;
	s0 =	simm.s32 @!p0 $0x0  }
0x12: {  	s1 =	sld [smem:$0x3F9A];
	s0 =	simm.s32 @p0 $0x1  }
0x13: {  	[smem:$0x3FB5] =	sst s0;
	s0 =	simm.s32 @!p1 $0x0  }
0x14: {  	s2 =	sld [smem:$0x3F99];
	s0 =	simm.s32 @p1 $0x1  }
0x15: {  	[smem:$0x3FB6] =	sst s0;
	s0 =	simm.s32 @!p2 $0x0  }
0x16: {  	s3 =	sld [smem:$0x3FDB];
	s0 =	simm.s32 @p2 $0x1  }
0x17: {  	s4 =	simm.s32 $0x1BF5;
	[smem:$0x3FB8] =	sst s0  }
0x18: {  	s0 =	sld [smem:$0x3F9B];
	_ =	swait.ge [sflag:s4], $0x0  }
0x19: {  	s7 =	sld [smem:$0x3F9C]  }
0x1a: {  	s8 =	sadd.s32 $0xFFFFE003, lr  }
0x1b: {  	s9 =	sadd.s32 $0xFFFFFEF7, lr;
	s5 =	simm.s32 $0xFFFFFFFF;
	p2 =	slt.u32 s8, $0xFFFFF086  }
0x1c: {  	p1 =	slt.u32 s9, $0xF7A;
	s5 =	simm.s32 @!p2 $0x0  }
0x1d: {  	s5 =	simm.s32 @p1 $0x1;
	p0 =	seq.s32 s7, s2  }
0x1e: {  	s7 =	smul.u32 @!p0 $0xF7A, s2;
	p2 =	seq.s32 @!p0 s5, $0x0  }
0x1f: {  	s9 =	smul.u32 $0xF7A, s1;
	s8 =	simm.s32 @!p0 $0x1BF5;
	p2 =	por !p2, p0  }
0x20: {  	[sflag:s8] =	ssyncset.s32 @!p0 $0xFFFFF086;
	s6 =	sadd.s32 @!p0 s3, s7;
	s7 =	simm.s32 @!p0 $0x108  }
0x21: {  	s3 =	sadd.s32 s3, s9;
	s6 =	sadd.s32 @!p0 $0x88, s6;
	s7 =	simm.s32 @p2 $0x1082  }
0x22: {  	[simem:s7], [sflag:s8] =	dma.local @!p0 [hbm:s6], $0xF7A  }
0x23: {  	s9 =	sor.u32 $0xD0000000, s2;
	s6 =	simm.s32 $0x108;
	_ =	swait.ge @!p0 [sflag:s8], $0x0  }
0x24: {  	s3 =	sadd.s32 $0x88, s3;
	s6 =	simm.s32 @!p1 $0x1082;
	[sflag:s4] =	ssyncset.s32 $0xFFFFF086  }
0x25: {  	[simem:s6], [sflag:s4] =	dma.local [hbm:s3], $0xF7A  }
0x26: {  	[smem:$0x3F9C] =	sst s1;
	(tag) =	ssettag s2;
	_ =	strace s9  }
0x27: {  	s1 =	sld [smem:$0x3FAC]  }
0x28: {  	s2 =	sld [smem:$0x3FAD]  }
0x29: {  	s4 =	sld [smem:$0x3FAF]  }
0x2a: {  	p0 =	seq.s32 s5, $0x0;
	s5 =	sld [smem:$0x3FB0]  }
0x2b: {  	s6 =	sld [smem:$0x3FB1]  }
0x2c: {  	s7 =	sld [smem:$0x3FB2]  }
0x2d: {  	s3 =	simm.s32 $0x108;
	s8 =	sld [smem:$0x3FB3]  }
0x2e: {  	s3 =	simm.s32 @!p0 $0x1082;
	s9 =	sld [smem:$0x3FB4]  }
0x2f: {  	lr =	sadd.s32 s0, s3;
	s0 =	sld [smem:$0x3FAB]  }
0x30: {  	s3 =	sld [smem:$0x3FAE]  }
0x31: {  	[smem:$0x3FB7] =	sst s10  }
0x32: {  	s10 =	sld [smem:$0x3FB5];
	_ =	sdelay $0x3  }
0x33: {  	p0 =	seq.s32 s10, $0x1;
	s10 =	sld [smem:$0x3FB7];
	_ =	sdelay $0x3  }
0x34: {  	[smem:$0x3FB7] =	sst s10  }
0x35: {  	s10 =	sld [smem:$0x3FB6];
	_ =	sdelay $0x3  }
0x36: {  	p1 =	seq.s32 s10, $0x1;
	s10 =	sld [smem:$0x3FB7];
	_ =	sdelay $0x3  }
0x37: {  	[smem:$0x3FB7] =	sst s10  }
0x38: {  	s10 =	sld [smem:$0x3FB8]  }
0x39: {  	_ = 	snop;
	(pc) =	sbr.ind lr, $3  }
0x3a: {  	_ = 	snop  }
0x3b: {  	_ = 	snop  }
0x3c: {  	p2 =	seq.s32 s10, $0x1;
	s10 =	sld [smem:$0x3FB7]  }
0x3d: {  	_ =	shalt  }
0x3e: {  	_ =	shalt  }
0x3f: {  	_ =	shalt  }
0x40: {  	_ =	shalt  }
0x41: {  	_ =	shalt  }
0x42: {  	_ =	shalt  }
0x43: {  	_ =	shalt  }
0x44: {  	_ =	shalt  }
0x45: {  	_ =	shalt  }
0x46: {  	_ =	shalt  }
0x47: {  	_ =	shalt  }
0x48: {  	_ =	shalt  }
0x49: {  	_ =	shalt  }
0x4a: {  	_ =	shalt  }
0x4b: {  	_ =	shalt  }
0x4c: {  	_ =	shalt  }
0x4d: {  	_ =	shalt  }
0x4e: {  	_ =	shalt  }
0x4f: {  	_ =	shalt  }
0x50: {  	_ =	shalt  }
0x51: {  	_ =	shalt  }
0x52: {  	_ =	shalt  }
0x53: {  	_ =	shalt  }
0x54: {  	_ =	shalt  }
0x55: {  	_ =	shalt  }
0x56: {  	_ =	shalt  }
0x57: {  	_ =	shalt  }
0x58: {  	_ =	shalt  }
0x59: {  	_ =	shalt  }
0x5a: {  	_ =	shalt  }
0x5b: {  	_ =	shalt  }
0x5c: {  	_ =	shalt  }
0x5d: {  	_ =	shalt  }
0x5e: {  	_ =	shalt  }
0x5f: {  	_ =	shalt  }
0x60: {  	_ =	shalt  }
0x61: {  	_ =	shalt  }
0x62: {  	_ =	shalt  }
0x63: {  	_ =	shalt  }
0x64: {  	_ =	shalt  }
0x65: {  	_ =	shalt  }
0x66: {  	_ =	shalt  }
0x67: {  	_ =	shalt  }
0x68: {  	_ =	shalt  }
0x69: {  	_ =	shalt  }
0x6a: {  	_ =	shalt  }
0x6b: {  	_ =	shalt  }
0x6c: {  	_ =	shalt  }
0x6d: {  	_ =	shalt  }
0x6e: {  	_ =	shalt  }
0x6f: {  	_ =	shalt  }
0x70: {  	_ =	shalt  }
0x71: {  	_ =	shalt  }
0x72: {  	_ =	shalt  }
0x73: {  	_ =	shalt  }
0x74: {  	_ =	shalt  }
0x75: {  	_ =	shalt  }
0x76: {  	_ =	shalt  }
0x77: {  	_ =	shalt  }
0x78: {  	_ =	shalt  }
0x79: {  	_ =	shalt  }
0x7a: {  	_ =	shalt  }
0x7b: {  	_ =	shalt  }
0x7c: {  	_ =	shalt  }
0x7d: {  	_ =	shalt  }
0x7e: {  	_ =	shalt  }
0x7f: {  	_ =	shalt  }
0x80: {  	_ =	shalt  }
0x81: {  	_ =	shalt  }
0x82: {  	_ =	shalt  }
0x83: {  	_ =	shalt  }
0x84: {  	_ =	shalt  }
0x85: {  	_ =	shalt  }
0x86: {  	_ =	shalt  }
0x87: {  	_ =	shalt  }
.Lfunc_end0:
.L_simem_size_0:
called_computation_lowered:
.L_overlay_start_0:
0x88: {  	s2 =	sld [smem:$0x3FD9]  }
0x89: {  	s3 =	sld [smem:$0x3FFE];
	_ =	sdelay $0x1  }
0x8a: {  	s1 =	srdreg.scid  }
0x8b: {  	s0 =	sand.u32 $0x1, s1  }
0x8c: {  	s17 =	sshll.u32 s0, $0xA;
	s2 =	sadd.s32 s3, s2  }
0x8d: {  	s2 =	sadd.s32 s2, s17  }
0x8e: {  	[smem:$0x3FC3] =	sst s2  }
0x8f: {  	_ = 	snop  }
0x90: {  	s2 =	sld [smem:$0x3FC6]  }
0x91: {  	s18 =	sld [smem:$0x3FD0];
	(tm) =	ssettm $0x1  }
0x92: {  	s4 =	sld [smem:$0x3FFB];
	_ =	sdelay $0x3  }
0x93: {  	_ =	strace s4  }
0x94: {  	s4 =	sld [smem:$0x3FFC];
	_ =	sdelay $0x3  }
0x95: {  	_ =	strace s4  }
0x96: {  	s4 =	sld [smem:$0x3FFD];
	_ =	sdelay $0x3  }
0x97: {  	_ =	strace s4  }
0x98: {  	_ =	strace $0x8FFFFFFF  }
0x99: {  	s19 =	sld [smem:$0x3FDB];
	_ =	sdelay $0x1  }
0x9a: {  	s5 =	simm.s32 $_scs_section_size  }
0x9b: {  	s6 =	simm.s32 $_size__tile_overlayer_lowered;
	s7 =	simm.s32 $_tile_overlayer_lowered  }
0x9c: {  	s22 =	simm.s32 $0x1BFF;
	s21 =	sshll.u32 s7, $0x1;
	s4 =	sadd.s32 s5, s19  }
0x9d: {  	s8 =	simm.s32 $0x0;
	s20 =	sshll.u32 s6, $0x1;
	s6 =	sadd.s32 s21, s4  }
0x9e: {  	[timem:s8], [sflag:s22] =	dma.local [hbm:s6], s20  }
0x9f: {  	_ =	swait.ge [sflag:s22], s20  }
0xa0: {  	s5 =	ssub.s32 $0x0, s20;
	[sflag:s22] =	ssyncset.done $0x0  }
0xa1: {  	[sflag:s22] =	ssyncadd.s32 s5;
	_ =	sdelay $0x1  }
0xa2: {  	s23 =	simm.s32 $0x1B8B  }
0xa3: {  	_ =	swait.ge [sflag:s23], $0x1  }
0xa4: {  	[sflag:s23] =	ssyncset.done $0x0  }
0xa5: {  	s25 =	simm.s32 $0x1B8E;
	s24 =	sld [smem:$0x3FFE];
	[sflag:s23] =	ssyncadd.s32 $0xFFFFFFFF  }
0xa6: {  	s26 =	simm.s32 $execute0_lowered;
	[smem:$0x3FD2] =	sst s25  }
0xa7: {  	s6 =	sshll.u32 s26, $0x1;
	_ =	strace $0x80000046;
	[dreg:$0x1] =	wrdreg $0xFFFFFFFF  }
0xa8: {  	s28 =	simm.s32 $_size_execute0_lowered;
	s4 =	sadd.s32 s4, s6;
	[dreg:$0x0] =	wrdreg $0x0  }
0xa9: {  	s6 =	sshll.u32 s28, $0x1;
	[dreg:$0x2] =	wrdreg s4  }
0xaa: {  	[dreg:$0x3] =	wrdreg s6  }
0xab: {  	[dreg:$0x4] =	wrdreg $0xC0  }
0xac: {  	_ =	task [dreg:s8], $0x5FFFF  }
0xad: {  	[dreg:$0x1] =	wrdreg $0xFFFFFFFF  }
0xae: {  	[dreg:$0x0] =	wrdreg $0x60  }
0xaf: {  	[dreg:$0x2] =	wrdreg s24  }
0xb0: {  	[dreg:$0x3] =	wrdreg s2  }
0xb1: {  	[dreg:$0x4] =	wrdreg s18  }
0xb2: {  	[dreg:$0x5] =	wrdreg $0x9  }
0xb3: {  	_ =	task.clear_ibuf [dreg:s8], $0x6FFFF;
	_ =	strace $0x90000046  }
0xb4: {  	s29 =	simm.s32 $0x9;
	_ =	strace $0x80000048  }
0xb5: {  	_ =	swait.ge [sflag:s29], $0x1  }
0xb6: {  	[sflag:s29] =	ssyncadd.s32 $0xFFFFFFFF  }
0xb7: {  	_ =	strace $0x90000048  }
0xb8: {  	_ =	sfence  }
0xb9: {  	s30 =	sld [smem:$0x0];
	_ =	sdelay $0x2  }
0xba: {  	s31 =	sshll.u32 s1, $0xD;
	s1 =	sshrl.u32 s1, $0x2  }
0xbb: {  	s3 =	sand.u32 $0x4000, s31;
	s1 =	sadd.s32 s1, s30  }
0xbc: {  	s0 =	sor.u32 s3, s0;
	s1 =	sshll.u32 s1, $0x11  }
0xbd: {  	s0 =	sor.u32 s1, s0  }
0xbe: {  	s0 =	sadd.s32 $0x8F2B, s0  }
0xbf: {  	[sflag:s0] =	ssyncadd.remote.s32 $0x1  }
0xc0: {  	_ =	sfence.sel $0xFFFF  }
0xc1: {  	[dreg:$0x0] =	wrdreg $0xFFFFFFFF;
	(pc) =	sbr.abs _section_cstart, $3  }
0xc2: {  	[dreg:$0x1] =	wrdreg $0xFFFFFFFF  }
0xc3: {  	_ =	task.clear_ibuf [dreg:s8], $0x2FFFF;
	_ =	strace $0x9FFFFFFF  }
0xc4: {  	(tm) =	ssettm $0x7FFFFFFF  }
0xc5: {  	_ =	shalt  }
tec
execute0_lowered:
.L_overlay_start_1:
0x0: {  	(tag) =	ssettag $0x1  }
0x1: {  	s0 =	rddreg [dreg:$0x0]  }
0x2: {  	s1 =	rddreg [dreg:$0x2]  }
0x3: {  	s3 =	simm.s32 $0x0;
	s2 =	srdreg.scid;
	s4 =	stileid.u32  }
0x4: {  	s10 =	simm.s32 $0x2;
	s11 =	simm.s32 $0x400;
	s14 =	simm.s32 $0x80  }
0x5: {  	s15 =	simm.s32 $0x800;
	s16 =	simm.s32 $0x4800;
	s17 =	simm.s32 $0x100  }
0x6: {  	s18 =	simm.s32 $0x8800;
	s19 =	simm.s32 $0x180;
	s20 =	simm.s32 $0xC800  }
0x7: {  	s21 =	simm.s32 $0x1;
	s22 =	simm.s32 $0x200;
	s23 =	simm.s32 $0x280  }
0x8: {  	s24 =	simm.s32 $0x300;
	s25 =	simm.s32 $0x380;
	s26 =	simm.s32 $0x10800  }
0x9: {  	[smem:$0x7FF] =	sst s3;
	s2 =	sand.u32 $0x1, s2;
	s4 =	sshll.u32 s4, $0x1  }
0xa: {  	s28 =	simm.s32 $0x0;
	_ =	strace $0x80000047;
	s7 =	sor.u32 s2, s4  }
0xb: {  	s4 =	sadd.s32 $0xF42C00, s0;
	s2 =	ssub.s32 $0x2, s2;
	s5 =	sshll.u32 s7, $0x7  }
0xc: {  	s30 =	sshrl.u32 s2, $0x1;
	s31 =	sshll.u32 s7, $0xC;
	s8 =	sadd.s32 s5, s0  }
0xd: {  	v0 =	vlaneseq.u32;
	s5 =	sadd.s32 $0x2800, s0;
	s0 =	ssub.s32 s2, s30;
	s6 =	sadd.s32 $0x1800, s8  }
0xe: {  	v1 =	vor.u32 $0x10, v0;
	v2 =	vor.u32 $0x20, v0;
	v3 =	vor.u32 $0x30, v0;
	s7 =	sadd.s32 $0x800, s8;
	s8 =	sadd.s32 s1, s31;
	s9 =	smax.u32 s0, $0x1  }
.LBB2_1:
0xf: {  	[tilespmem:s3], [sflag:$0x2] =	stream.linear.gather [hbm4b:s6+s3], $0x400, $0x38;
	[tilespmem:$0x18980] =	vst v63  }
0x10: {  	_ =	swait.ge [sflag:s10], $0x400  }
0x11: {  	[sflag:s10] =	ssyncset.done $0x0  }
0x12: {  	[sflag:s10] =	ssyncadd.s32 $0xFFFFFC00  }
0x13: {  	[tilespmem:s11], [sflag:$0x2] =	stream.linear.gather [hbm4b:s7+s3], $0x400, $0x38;
	[tilespmem:$0x18980] =	vst v63  }
0x14: {  	_ =	swait.ge [sflag:s10], $0x400  }
0x15: {  	[sflag:s10] =	ssyncset.done $0x0  }
0x16: {  	[sflag:s10] =	ssyncadd.s32 $0xFFFFFC00  }
0x17: {  	s1 =	simm.s32 $0x18800;
	s0 =	rddreg [dreg:$0x1]  }
0x18: {  	[tilespmem:s1], [sflag:$0x2] =	stream.linear.gather [hbm4b:s0+s3], $0x100, $0x38;
	[tilespmem:$0x18980] =	vst v63  }
0x19: {  	_ =	swait.ge [sflag:s10], $0x100  }
0x1a: {  	[sflag:s10] =	ssyncset.done $0x0  }
0x1b: {  	s31 =	simm.s32 $0x18900;
	[sflag:s10] =	ssyncadd.s32 $0xFFFFFF00  }
0x1c: {  	[tilespmem:s31], [sflag:$0x2] =	stream.linear.gather [hbm4b:s5+s3], $0x80, $0x38;
	[tilespmem:$0x18980] =	vst v63  }
0x1d: {  	_ =	swait.ge [sflag:s10], $0x80  }
0x1e: {  	[sflag:s10] =	ssyncset.done $0x0  }
0x1f: {  	[sflag:s10] =	ssyncadd.s32 $0xFFFFFF80  }
0x20: {  	v4 =	vld [tilespmem:$0x18900];
	_ =	sdelay $0x2  }
0x21: {  	v5 =	vld [tilespmem:$0x18800]  }
0x22: {  	v6 =	vld [tilespmem:$0x18810]  }
0x23: {  	v7 =	vld [tilespmem:$0x18820];
	v4 =	vmul.f32 $1.442695020e+00, v4  }
0x24: {  	v8 =	vld [tilespmem:$0x18830]  }
0x25: {  	v9 =	vld [tilespmem:$0x18880];
	(erf) = vpow2.f32 v4  }
0x26: {  	v10 =	vld [tilespmem:$0x18890]  }
0x27: {  	v11 =	vld [tilespmem:$0x188A0]  }
0x28: {  	v12 =	vld [tilespmem:$0x188B0];
	[tilespmem:s15], [sflag:$0x1] =	stream.indirect.gather [hbm4b:s4+s14], $0x80, s3, s14, $0xb8  }
0x29: {  	_ = 	snop  }
0x2a: {  	[tilespmem:s16], [sflag:$0x1] =	stream.indirect.gather [hbm4b:s4+s14], $0x80, s14, s14, $0xb8;
	[tilespmem:$0x18980] =	vst v63  }
0x2b: {  	_ = 	snop  }
0x2c: {  	[tilespmem:s18], [sflag:$0x1] =	stream.indirect.gather [hbm4b:s4+s14], $0x80, s17, s14, $0xb8;
	[tilespmem:$0x18980] =	vst v63  }
0x2d: {  	_ = 	snop  }
0x2e: {  	[tilespmem:s20], [sflag:$0x1] =	stream.indirect.gather [hbm4b:s4+s14], $0x80, s19, s14, $0xb8;
	v13 =	vpop (erf);
	[tilespmem:$0x18980] =	vst v63  }
0x2f: {  	_ =	swait.ge [sflag:s21], $0x4000  }
0x30: {  	[sflag:s21] =	ssyncset.done $0x0  }
0x31: {  	[sflag:s21] =	ssyncadd.s32 $0xFFFFC000  }
0x32: {  	_ =	swait.ge [sflag:s21], $0x4000  }
0x33: {  	[sflag:s21] =	ssyncset.done $0x0  }
0x34: {  	[sflag:s21] =	ssyncadd.s32 $0xFFFFC000  }
0x35: {  	_ =	swait.ge [sflag:s21], $0x4000  }
0x36: {  	[sflag:s21] =	ssyncset.done $0x0  }
0x37: {  	v4 =	vmul.f32 v13, v5;
	v5 =	vmul.f32 v13, v6;
	[sflag:s21] =	ssyncadd.s32 $0xFFFFC000  }
0x38: {  	v6 =	vmul.f32 v7, v13;
	v7 =	vmul.f32 v8, v13;
	_ =	swait.ge [sflag:s21], $0x4000  }
0x39: {  	s29 =	simm.s32 $0x7;
	v8 =	vmul.f32 v9, v13;
	v9 =	vmul.f32 v10, v13;
	[sflag:s21] =	ssyncset.done $0x0  }
0x3a: {  	s30 =	simm.s32 $0x10880;
	s0 =	simm.s32 $0xFFFFFFFE;
	v10 =	vmul.f32 v11, v13;
	v11 =	vmul.f32 v12, v13;
	[sflag:s21] =	ssyncadd.s32 $0xFFFFC000  }
.LBB2_2:
0x3b: {  	s0 =	sadd.s32 $0x2, s0  }
0x3c: {  	s1 =	sadd.s32 $0xFFFFFFF9, s29;
	s2 =	sshll.u32 s0, $0x2  }
0x3d: {  	s12 =	sand.u32 $0x78, s1;
	s31 =	sand.u32 $0xFFFFFF80, s2  }
0x3e: {  	s2 =	sor.u32 s12, s31  }
0x3f: {  	v12 =	vmov s2;
	s2 =	sor.u32 $0x1, s2  }
0x40: {  	v13 =	vmov s2;
	_ =	sdelay $0x3  }
0x41: {  	v12 =	vld.idx.msk [tilespmem:v12+s11+$0x0], $0xffff  }
0x42: {  	v13 =	vld.idx.msk [tilespmem:v13+s11+$0x0], $0xffff;
	_ =	sdelay $0x3  }
0x43: {  	v14 =	vshll.u32 v12, $0x6  }
0x44: {  	s1 =	sshll.u32 s1, $0x7;
	s2 =	sshll.u32 s29, $0x7;
	v14 =	vand.u32 $0x40, v14;
	v15 =	vshll.u32 v13, $0x6  }
0x45: {  	s12 =	sadd.s32 $0xFFFFFD00, s2;
	v15 =	vand.u32 $0x40, v15;
	v14 =	vor.u32 s1, v14  }
0x46: {  	v16 =	vor.u32 v0, v14;
	v15 =	vor.u32 s12, v15  }
0x47: {  	v17 =	vor.u32 v0, v15;
	_ =	sdelay $0x3  }
0x48: {  	v16 =	vld.idx.msk [tilespmem:v16+s15+$0x0], $0xffff  }
0x49: {  	v17 =	vld.idx.msk [tilespmem:v17+s15+$0x0], $0xffff;
	_ =	sdelay $0x3  }
0x4a: {  	vm0 =	veq.s32 v12, $0x0;
	vm1 =	veq.s32 v13, $0x0  }
0x4b: {  	v12 =	vsel vm0, $0x0, v16;
	v13 =	vsel vm1, $0x0, v17  }
0x4c: {  	v12 =	vmul.f32 v12, v4;
	v13 =	vmul.f32 v13, v8  }
0x4d: {  	v29 =	vor.u32 v1, v14  }
0x4e: {  	v30 =	vor.u32 v1, v15;
	v12 =	vadd.f32 v13, v12;
	_ =	sdelay $0x1  }
0x4f: {  	v12 =	vmax.f32 v12, $0.0e+00  }
0x50: {  	[tilespmem:s30+$0xFFFFFF80] =	vst v12  }
0x51: {  	v12 =	vld.idx.msk [tilespmem:v29+s15+$0x0], $0xffff  }
0x52: {  	v13 =	vld.idx.msk [tilespmem:v30+s15+$0x0], $0xffff;
	_ =	sdelay $0x4  }
0x53: {  	v12 =	vsel vm0, $0x0, v12;
	v13 =	vsel vm1, $0x0, v13  }
0x54: {  	v12 =	vmul.f32 v12, v5;
	v13 =	vmul.f32 v13, v9  }
0x55: {  	v31 =	vor.u32 v2, v14  }
0x56: {  	v32 =	vor.u32 v2, v15;
	v12 =	vadd.f32 v13, v12;
	_ =	sdelay $0x1  }
0x57: {  	v12 =	vmax.f32 v12, $0.0e+00  }
0x58: {  	[tilespmem:s30+$0xFFFFFF90] =	vst v12  }
0x59: {  	v12 =	vld.idx.msk [tilespmem:v31+s15+$0x0], $0xffff  }
0x5a: {  	v13 =	vld.idx.msk [tilespmem:v32+s15+$0x0], $0xffff;
	_ =	sdelay $0x4  }
0x5b: {  	v12 =	vsel vm0, $0x0, v12;
	v13 =	vsel vm1, $0x0, v13  }
0x5c: {  	v12 =	vmul.f32 v12, v6;
	v13 =	vmul.f32 v13, v10  }
0x5d: {  	v14 =	vor.u32 v3, v14  }
0x5e: {  	v33 =	vor.u32 v3, v15;
	v12 =	vadd.f32 v13, v12;
	_ =	sdelay $0x1  }
0x5f: {  	v12 =	vmax.f32 v12, $0.0e+00  }
0x60: {  	[tilespmem:s30+$0xFFFFFFA0] =	vst v12  }
0x61: {  	v12 =	vld.idx.msk [tilespmem:v14+s15+$0x0], $0xffff  }
0x62: {  	v13 =	vld.idx.msk [tilespmem:v33+s15+$0x0], $0xffff;
	_ =	sdelay $0x3  }
0x63: {  	s1 =	sadd.s32 $0xFFFFFFFB, s29  }
0x64: {  	s13 =	sand.u32 $0x7A, s1;
	v12 =	vsel vm0, $0x0, v12;
	v13 =	vsel vm1, $0x0, v13  }
0x65: {  	s12 =	sor.u32 s13, s31;
	v12 =	vmul.f32 v12, v7;
	v13 =	vmul.f32 v13, v11  }
0x66: {  	v34 =	vmov s12;
	s12 =	sor.u32 $0x1, s12  }
0x67: {  	v35 =	vmov s12;
	v12 =	vadd.f32 v13, v12;
	_ =	sdelay $0x1  }
0x68: {  	v12 =	vmax.f32 v12, $0.0e+00  }
0x69: {  	[tilespmem:s30+$0xFFFFFFB0] =	vst v12  }
0x6a: {  	v12 =	vld.idx.msk [tilespmem:v34+s11+$0x0], $0xffff  }
0x6b: {  	v13 =	vld.idx.msk [tilespmem:v35+s11+$0x0], $0xffff;
	_ =	sdelay $0x3  }
0x6c: {  	v14 =	vshll.u32 v12, $0x6  }
0x6d: {  	s1 =	sshll.u32 s1, $0x7;
	v36 =	vshll.u32 v13, $0x6;
	v14 =	vand.u32 $0x40, v14  }
0x6e: {  	s12 =	sadd.s32 $0xFFFFFE00, s2;
	v15 =	vand.u32 $0x40, v36;
	v14 =	vor.u32 s1, v14  }
0x6f: {  	v15 =	vor.u32 s12, v15;
	v37 =	vor.u32 v0, v14  }
0x70: {  	v38 =	vor.u32 v0, v15;
	_ =	sdelay $0x3  }
0x71: {  	v16 =	vld.idx.msk [tilespmem:v37+s15+$0x0], $0xffff  }
0x72: {  	v17 =	vld.idx.msk [tilespmem:v38+s15+$0x0], $0xffff;
	_ =	sdelay $0x3  }
0x73: {  	vm10 =	veq.s32 v12, $0x0;
	vm11 =	veq.s32 v13, $0x0  }
0x74: {  	v12 =	vsel vm10, $0x0, v16;
	v13 =	vsel vm11, $0x0, v17  }
0x75: {  	v12 =	vmul.f32 v12, v4;
	v13 =	vmul.f32 v13, v8  }
0x76: {  	v39 =	vor.u32 v1, v14  }
0x77: {  	v40 =	vor.u32 v1, v15;
	v12 =	vadd.f32 v13, v12;
	_ =	sdelay $0x1  }
0x78: {  	v12 =	vmax.f32 v12, $0.0e+00  }
0x79: {  	[tilespmem:s30+$0xFFFFFFC0] =	vst v12  }
0x7a: {  	v12 =	vld.idx.msk [tilespmem:v39+s15+$0x0], $0xffff  }
0x7b: {  	v13 =	vld.idx.msk [tilespmem:v40+s15+$0x0], $0xffff;
	_ =	sdelay $0x4  }
0x7c: {  	v12 =	vsel vm10, $0x0, v12;
	v13 =	vsel vm11, $0x0, v13  }
0x7d: {  	v12 =	vmul.f32 v12, v5;
	v13 =	vmul.f32 v13, v9  }
0x7e: {  	v41 =	vor.u32 v2, v14  }
0x7f: {  	v42 =	vor.u32 v2, v15;
	v12 =	vadd.f32 v13, v12;
	_ =	sdelay $0x1  }
0x80: {  	v12 =	vmax.f32 v12, $0.0e+00  }
0x81: {  	[tilespmem:s30+$0xFFFFFFD0] =	vst v12  }
0x82: {  	v12 =	vld.idx.msk [tilespmem:v41+s15+$0x0], $0xffff  }
0x83: {  	v13 =	vld.idx.msk [tilespmem:v42+s15+$0x0], $0xffff;
	_ =	sdelay $0x4  }
0x84: {  	v12 =	vsel vm10, $0x0, v12;
	v13 =	vsel vm11, $0x0, v13  }
0x85: {  	v12 =	vmul.f32 v12, v6;
	v13 =	vmul.f32 v13, v10  }
0x86: {  	v14 =	vor.u32 v3, v14  }
0x87: {  	v43 =	vor.u32 v3, v15;
	v12 =	vadd.f32 v13, v12;
	_ =	sdelay $0x1  }
0x88: {  	v12 =	vmax.f32 v12, $0.0e+00  }
0x89: {  	[tilespmem:s30+$0xFFFFFFE0] =	vst v12  }
0x8a: {  	v12 =	vld.idx.msk [tilespmem:v14+s15+$0x0], $0xffff  }
0x8b: {  	v13 =	vld.idx.msk [tilespmem:v43+s15+$0x0], $0xffff;
	_ =	sdelay $0x3  }
0x8c: {  	s1 =	sadd.s32 $0xFFFFFFFD, s29  }
0x8d: {  	s13 =	sand.u32 $0x7C, s1;
	v12 =	vsel vm10, $0x0, v12;
	v13 =	vsel vm11, $0x0, v13  }
0x8e: {  	s12 =	sor.u32 s13, s31;
	v12 =	vmul.f32 v12, v7;
	v13 =	vmul.f32 v13, v11  }
0x8f: {  	v44 =	vmov s12;
	s12 =	sor.u32 $0x1, s12  }
0x90: {  	v45 =	vmov s12;
	v12 =	vadd.f32 v13, v12;
	_ =	sdelay $0x1  }
0x91: {  	v12 =	vmax.f32 v12, $0.0e+00  }
0x92: {  	[tilespmem:s30+$0xFFFFFFF0] =	vst v12  }
0x93: {  	v12 =	vld.idx.msk [tilespmem:v44+s11+$0x0], $0xffff  }
0x94: {  	v13 =	vld.idx.msk [tilespmem:v45+s11+$0x0], $0xffff;
	_ =	sdelay $0x3  }
0x95: {  	v14 =	vshll.u32 v12, $0x6  }
0x96: {  	s1 =	sshll.u32 s1, $0x7;
	v46 =	vshll.u32 v13, $0x6;
	v14 =	vand.u32 $0x40, v14  }
0x97: {  	s12 =	sadd.s32 $0xFFFFFF00, s2;
	v15 =	vand.u32 $0x40, v46;
	v14 =	vor.u32 s1, v14  }
0x98: {  	v15 =	vor.u32 s12, v15;
	v47 =	vor.u32 v0, v14  }
0x99: {  	v48 =	vor.u32 v0, v15;
	_ =	sdelay $0x3  }
0x9a: {  	v16 =	vld.idx.msk [tilespmem:v47+s15+$0x0], $0xffff  }
0x9b: {  	v17 =	vld.idx.msk [tilespmem:v48+s15+$0x0], $0xffff;
	_ =	sdelay $0x3  }
0x9c: {  	vm12 =	veq.s32 v12, $0x0;
	vm13 =	veq.s32 v13, $0x0  }
0x9d: {  	v12 =	vsel vm12, $0x0, v16;
	v13 =	vsel vm13, $0x0, v17  }
0x9e: {  	v12 =	vmul.f32 v12, v4;
	v13 =	vmul.f32 v13, v8  }
0x9f: {  	v49 =	vor.u32 v1, v14  }
0xa0: {  	v50 =	vor.u32 v1, v15;
	v12 =	vadd.f32 v13, v12;
	_ =	sdelay $0x1  }
0xa1: {  	v12 =	vmax.f32 v12, $0.0e+00  }
0xa2: {  	[tilespmem:s30+$0x0] =	vst v12  }
0xa3: {  	v12 =	vld.idx.msk [tilespmem:v49+s15+$0x0], $0xffff  }
0xa4: {  	v13 =	vld.idx.msk [tilespmem:v50+s15+$0x0], $0xffff;
	_ =	sdelay $0x4  }
0xa5: {  	v12 =	vsel vm12, $0x0, v12;
	v13 =	vsel vm13, $0x0, v13  }
0xa6: {  	v12 =	vmul.f32 v12, v5;
	v13 =	vmul.f32 v13, v9  }
0xa7: {  	v51 =	vor.u32 v2, v14  }
0xa8: {  	v52 =	vor.u32 v2, v15;
	v12 =	vadd.f32 v13, v12;
	_ =	sdelay $0x1  }
0xa9: {  	v12 =	vmax.f32 v12, $0.0e+00  }
0xaa: {  	[tilespmem:s30+$0x10] =	vst v12  }
0xab: {  	v12 =	vld.idx.msk [tilespmem:v51+s15+$0x0], $0xffff  }
0xac: {  	v13 =	vld.idx.msk [tilespmem:v52+s15+$0x0], $0xffff;
	_ =	sdelay $0x4  }
0xad: {  	v12 =	vsel vm12, $0x0, v12;
	v13 =	vsel vm13, $0x0, v13  }
0xae: {  	v12 =	vmul.f32 v12, v6;
	v13 =	vmul.f32 v13, v10  }
0xaf: {  	v14 =	vor.u32 v3, v14  }
0xb0: {  	v53 =	vor.u32 v3, v15;
	v12 =	vadd.f32 v13, v12;
	_ =	sdelay $0x1  }
0xb1: {  	v12 =	vmax.f32 v12, $0.0e+00  }
0xb2: {  	[tilespmem:s30+$0x20] =	vst v12  }
0xb3: {  	v12 =	vld.idx.msk [tilespmem:v14+s15+$0x0], $0xffff  }
0xb4: {  	v13 =	vld.idx.msk [tilespmem:v53+s15+$0x0], $0xffff;
	_ =	sdelay $0x3  }
0xb5: {  	s1 =	sadd.s32 $0xFFFFFFFF, s29  }
0xb6: {  	s13 =	sand.u32 $0x7E, s1;
	v12 =	vsel vm12, $0x0, v12;
	v13 =	vsel vm13, $0x0, v13  }
0xb7: {  	s12 =	sor.u32 s13, s31;
	v12 =	vmul.f32 v12, v7;
	v13 =	vmul.f32 v13, v11  }
0xb8: {  	v54 =	vmov s12;
	s12 =	sor.u32 $0x1, s12  }
0xb9: {  	v55 =	vmov s12;
	v12 =	vadd.f32 v13, v12;
	_ =	sdelay $0x1  }
0xba: {  	v12 =	vmax.f32 v12, $0.0e+00  }
0xbb: {  	[tilespmem:s30+$0x30] =	vst v12  }
0xbc: {  	v12 =	vld.idx.msk [tilespmem:v54+s11+$0x0], $0xffff  }
0xbd: {  	v13 =	vld.idx.msk [tilespmem:v55+s11+$0x0], $0xffff;
	_ =	sdelay $0x3  }
0xbe: {  	v14 =	vshll.u32 v12, $0x6  }
0xbf: {  	s1 =	sshll.u32 s1, $0x7;
	v56 =	vshll.u32 v13, $0x6;
	v14 =	vand.u32 $0x40, v14  }
0xc0: {  	v15 =	vand.u32 $0x40, v56;
	v14 =	vor.u32 s1, v14  }
0xc1: {  	v15 =	vor.u32 s2, v15;
	v57 =	vor.u32 v0, v14  }
0xc2: {  	v58 =	vor.u32 v0, v15;
	_ =	sdelay $0x3  }
0xc3: {  	v16 =	vld.idx.msk [tilespmem:v57+s15+$0x0], $0xffff  }
0xc4: {  	v17 =	vld.idx.msk [tilespmem:v58+s15+$0x0], $0xffff;
	_ =	sdelay $0x3  }
0xc5: {  	vm14 =	veq.s32 v12, $0x0;
	vm15 =	veq.s32 v13, $0x0  }
0xc6: {  	v12 =	vsel vm14, $0x0, v16;
	v13 =	vsel vm15, $0x0, v17  }
0xc7: {  	v12 =	vmul.f32 v12, v4;
	v13 =	vmul.f32 v13, v8  }
0xc8: {  	v59 =	vor.u32 v1, v14  }
0xc9: {  	v60 =	vor.u32 v1, v15;
	v12 =	vadd.f32 v13, v12;
	_ =	sdelay $0x1  }
0xca: {  	v12 =	vmax.f32 v12, $0.0e+00  }
0xcb: {  	[tilespmem:s30+$0x40] =	vst v12  }
0xcc: {  	v12 =	vld.idx.msk [tilespmem:v59+s15+$0x0], $0xffff  }
0xcd: {  	v13 =	vld.idx.msk [tilespmem:v60+s15+$0x0], $0xffff;
	_ =	sdelay $0x4  }
0xce: {  	v12 =	vsel vm14, $0x0, v12;
	v13 =	vsel vm15, $0x0, v13  }
0xcf: {  	v12 =	vmul.f32 v12, v5;
	v13 =	vmul.f32 v13, v9  }
0xd0: {  	v61 =	vor.u32 v2, v14  }
0xd1: {  	v62 =	vor.u32 v2, v15;
	v12 =	vadd.f32 v13, v12;
	_ =	sdelay $0x1  }
0xd2: {  	v12 =	vmax.f32 v12, $0.0e+00  }
0xd3: {  	[tilespmem:s30+$0x50] =	vst v12  }
0xd4: {  	v12 =	vld.idx.msk [tilespmem:v61+s15+$0x0], $0xffff  }
0xd5: {  	v13 =	vld.idx.msk [tilespmem:v62+s15+$0x0], $0xffff;
	_ =	sdelay $0x4  }
0xd6: {  	v12 =	vsel vm14, $0x0, v12;
	v13 =	vsel vm15, $0x0, v13  }
0xd7: {  	v12 =	vmul.f32 v12, v6;
	v13 =	vmul.f32 v13, v10  }
0xd8: {  	v14 =	vor.u32 v3, v14  }
0xd9: {  	v63 =	vor.u32 v3, v15;
	v12 =	vadd.f32 v13, v12;
	_ =	sdelay $0x1  }
0xda: {  	v12 =	vmax.f32 v12, $0.0e+00  }
0xdb: {  	[tilespmem:s30+$0x60] =	vst v12  }
0xdc: {  	v12 =	vld.idx.msk [tilespmem:v14+s15+$0x0], $0xffff  }
0xdd: {  	v13 =	vld.idx.msk [tilespmem:v63+s15+$0x0], $0xffff;
	_ =	sdelay $0x4  }
0xde: {  	v12 =	vsel vm14, $0x0, v12;
	v13 =	vsel vm15, $0x0, v13  }
0xdf: {  	p0 =	slt.u32 s0, $0x7E;
	v12 =	vmul.f32 v12, v7;
	v13 =	vmul.f32 v13, v11  }
.Ltmp0:
0xe0: {  	_ = 	snop;
	(pc) =	sbr.rel @p0 .LBB2_2-.Ltmp0, $3  }
0xe1: {  	v12 =	vadd.f32 v13, v12;
	_ =	sdelay $0x1  }
0xe2: {  	v12 =	vmax.f32 v12, $0.0e+00  }
0xe3: {  	s29 =	sadd.s32 $0x8, s29;
	[tilespmem:s30+$0x70] =	vst v12;
	s30 =	sadd.s32 $0x100, s30  }
0xe4: {  	[tilespmem:s15], [sflag:$0x1] =	stream.indirect.gather [hbm4b:s4+s14], $0x80, s22, s14, $0xb8;
	[tilespmem:$0x18980] =	vst v63  }
0xe5: {  	_ = 	snop  }
0xe6: {  	[tilespmem:s16], [sflag:$0x1] =	stream.indirect.gather [hbm4b:s4+s14], $0x80, s23, s14, $0xb8;
	[tilespmem:$0x18980] =	vst v63  }
0xe7: {  	_ = 	snop  }
0xe8: {  	[tilespmem:s18], [sflag:$0x1] =	stream.indirect.gather [hbm4b:s4+s14], $0x80, s24, s14, $0xb8;
	[tilespmem:$0x18980] =	vst v63  }
0xe9: {  	_ = 	snop  }
0xea: {  	[tilespmem:s20], [sflag:$0x1] =	stream.indirect.gather [hbm4b:s4+s14], $0x80, s25, s14, $0xb8;
	[tilespmem:$0x18980] =	vst v63  }
0xeb: {  	_ =	swait.ge [sflag:s21], $0x4000  }
0xec: {  	[sflag:s21] =	ssyncset.done $0x0  }
0xed: {  	[sflag:s21] =	ssyncadd.s32 $0xFFFFC000  }
0xee: {  	_ =	swait.ge [sflag:s21], $0x4000  }
0xef: {  	[sflag:s21] =	ssyncset.done $0x0  }
0xf0: {  	[sflag:s21] =	ssyncadd.s32 $0xFFFFC000  }
0xf1: {  	_ =	swait.ge [sflag:s21], $0x4000  }
0xf2: {  	[sflag:s21] =	ssyncset.done $0x0  }
0xf3: {  	[sflag:s21] =	ssyncadd.s32 $0xFFFFC000  }
0xf4: {  	_ =	swait.ge [sflag:s21], $0x4000  }
0xf5: {  	s29 =	simm.s32 $0xFFFFFFFE;
	s30 =	simm.s32 $0x0;
	[sflag:s21] =	ssyncset.done $0x0  }
0xf6: {  	s31 =	simm.s32 $0x103;
	s0 =	simm.s32 $0x14800;
	[sflag:s21] =	ssyncadd.s32 $0xFFFFC000  }
.LBB2_4:
0xf7: {  	s29 =	sadd.s32 $0x2, s29  }
0xf8: {  	s1 =	sshll.u32 s29, $0x2  }
0xf9: {  	s2 =	sand.u32 $0x78, s30;
	s1 =	sand.u32 $0xFFFFFF80, s1  }
0xfa: {  	s1 =	sor.u32 s2, s1  }
0xfb: {  	s2 =	sor.u32 $0x200, s1  }
0xfc: {  	s1 =	sor.u32 $0x201, s1;
	v12 =	vmov s2  }
0xfd: {  	v13 =	vmov s1;
	_ =	sdelay $0x3  }
0xfe: {  	v12 =	vld.idx.msk [tilespmem:v12+s11+$0x0], $0xffff  }
0xff: {  	v13 =	vld.idx.msk [tilespmem:v13+s11+$0x0], $0xffff;
	_ =	sdelay $0x3  }
0x100: {  	v14 =	vshll.u32 v12, $0x6  }
0x101: {  	s2 =	sshll.u32 s30, $0x7;
	v15 =	vshll.u32 v13, $0x6;
	v14 =	vand.u32 $0x40, v14  }
0x102: {  	s12 =	sadd.s32 $0x80, s2;
	v15 =	vand.u32 $0x40, v15;
	v14 =	vor.u32 s2, v14  }
0x103: {  	v15 =	vor.u32 s12, v15;
	v16 =	vor.u32 v0, v14  }
0x104: {  	v17 =	vor.u32 v0, v15;
	_ =	sdelay $0x3  }
0x105: {  	v16 =	vld.idx.msk [tilespmem:v16+s15+$0x0], $0xffff  }
0x106: {  	v17 =	vld.idx.msk [tilespmem:v17+s15+$0x0], $0xffff;
	_ =	sdelay $0x3  }
0x107: {  	vm0 =	veq.s32 v12, $0x0;
	vm1 =	veq.s32 v13, $0x0  }
0x108: {  	v12 =	vsel vm0, $0x0, v16;
	v13 =	vsel vm1, $0x0, v17  }
0x109: {  	v12 =	vmul.f32 v12, v4;
	v13 =	vmul.f32 v13, v8  }
0x10a: {  	v29 =	vor.u32 v1, v14  }
0x10b: {  	v30 =	vor.u32 v1, v15;
	v12 =	vadd.f32 v13, v12;
	_ =	sdelay $0x1  }
0x10c: {  	v12 =	vmax.f32 v12, $0.0e+00  }
0x10d: {  	[tilespmem:s0+$0x0] =	vst v12  }
0x10e: {  	v12 =	vld.idx.msk [tilespmem:v29+s15+$0x0], $0xffff  }
0x10f: {  	v13 =	vld.idx.msk [tilespmem:v30+s15+$0x0], $0xffff;
	_ =	sdelay $0x4  }
0x110: {  	v12 =	vsel vm0, $0x0, v12;
	v13 =	vsel vm1, $0x0, v13  }
0x111: {  	v12 =	vmul.f32 v12, v5;
	v13 =	vmul.f32 v13, v9  }
0x112: {  	v31 =	vor.u32 v2, v14  }
0x113: {  	v32 =	vor.u32 v2, v15;
	v12 =	vadd.f32 v13, v12;
	_ =	sdelay $0x1  }
0x114: {  	v12 =	vmax.f32 v12, $0.0e+00  }
0x115: {  	[tilespmem:s0+$0x10] =	vst v12  }
0x116: {  	v12 =	vld.idx.msk [tilespmem:v31+s15+$0x0], $0xffff  }
0x117: {  	v13 =	vld.idx.msk [tilespmem:v32+s15+$0x0], $0xffff;
	_ =	sdelay $0x4  }
0x118: {  	v12 =	vsel vm0, $0x0, v12;
	v13 =	vsel vm1, $0x0, v13  }
0x119: {  	v12 =	vmul.f32 v12, v6;
	v13 =	vmul.f32 v13, v10  }
0x11a: {  	v14 =	vor.u32 v3, v14  }
0x11b: {  	v33 =	vor.u32 v3, v15;
	v12 =	vadd.f32 v13, v12;
	_ =	sdelay $0x1  }
0x11c: {  	v12 =	vmax.f32 v12, $0.0e+00  }
0x11d: {  	[tilespmem:s0+$0x20] =	vst v12  }
0x11e: {  	v12 =	vld.idx.msk [tilespmem:v14+s15+$0x0], $0xffff  }
0x11f: {  	v13 =	vld.idx.msk [tilespmem:v33+s15+$0x0], $0xffff;
	_ =	sdelay $0x2  }
0x120: {  	s1 =	sshll.u32 s31, $0x1  }
0x121: {  	s13 =	sadd.s32 $0xFFFFFFFC, s1;
	s12 =	sadd.s32 $0x202, s30  }
0x122: {  	s13 =	sand.u32 $0xFFFFFF80, s13;
	s12 =	sand.u32 $0x7A, s12;
	v12 =	vsel vm0, $0x0, v12;
	v13 =	vsel vm1, $0x0, v13  }
0x123: {  	s12 =	sor.u32 s12, s13;
	v12 =	vmul.f32 v12, v7;
	v13 =	vmul.f32 v13, v11  }
0x124: {  	v34 =	vmov s12;
	s12 =	sor.u32 $0x1, s12  }
0x125: {  	v35 =	vmov s12;
	v12 =	vadd.f32 v13, v12;
	_ =	sdelay $0x1  }
0x126: {  	v12 =	vmax.f32 v12, $0.0e+00  }
0x127: {  	[tilespmem:s0+$0x30] =	vst v12  }
0x128: {  	v12 =	vld.idx.msk [tilespmem:v34+s11+$0x0], $0xffff  }
0x129: {  	v13 =	vld.idx.msk [tilespmem:v35+s11+$0x0], $0xffff;
	_ =	sdelay $0x3  }
0x12a: {  	v14 =	vshll.u32 v12, $0x6  }
0x12b: {  	s13 =	sadd.s32 $0x100, s2;
	v36 =	vshll.u32 v13, $0x6;
	v14 =	vand.u32 $0x40, v14  }
0x12c: {  	v15 =	vand.u32 $0x40, v36;
	v14 =	vor.u32 s13, v14;
	s13 =	sadd.s32 $0x180, s2  }
0x12d: {  	v37 =	vor.u32 v0, v14;
	v15 =	vor.u32 s13, v15  }
0x12e: {  	v38 =	vor.u32 v0, v15;
	_ =	sdelay $0x3  }
0x12f: {  	v16 =	vld.idx.msk [tilespmem:v37+s15+$0x0], $0xffff  }
0x130: {  	v17 =	vld.idx.msk [tilespmem:v38+s15+$0x0], $0xffff;
	_ =	sdelay $0x3  }
0x131: {  	vm10 =	veq.s32 v12, $0x0;
	vm11 =	veq.s32 v13, $0x0  }
0x132: {  	v12 =	vsel vm10, $0x0, v16;
	v13 =	vsel vm11, $0x0, v17  }
0x133: {  	v12 =	vmul.f32 v12, v4;
	v13 =	vmul.f32 v13, v8  }
0x134: {  	v39 =	vor.u32 v1, v14  }
0x135: {  	v40 =	vor.u32 v1, v15;
	v12 =	vadd.f32 v13, v12;
	_ =	sdelay $0x1  }
0x136: {  	v12 =	vmax.f32 v12, $0.0e+00  }
0x137: {  	[tilespmem:s0+$0x40] =	vst v12  }
0x138: {  	v12 =	vld.idx.msk [tilespmem:v39+s15+$0x0], $0xffff  }
0x139: {  	v13 =	vld.idx.msk [tilespmem:v40+s15+$0x0], $0xffff;
	_ =	sdelay $0x4  }
0x13a: {  	v12 =	vsel vm10, $0x0, v12;
	v13 =	vsel vm11, $0x0, v13  }
0x13b: {  	v12 =	vmul.f32 v12, v5;
	v13 =	vmul.f32 v13, v9  }
0x13c: {  	v41 =	vor.u32 v2, v14  }
0x13d: {  	v42 =	vor.u32 v2, v15;
	v12 =	vadd.f32 v13, v12;
	_ =	sdelay $0x1  }
0x13e: {  	v12 =	vmax.f32 v12, $0.0e+00  }
0x13f: {  	[tilespmem:s0+$0x50] =	vst v12  }
0x140: {  	v12 =	vld.idx.msk [tilespmem:v41+s15+$0x0], $0xffff  }
0x141: {  	v13 =	vld.idx.msk [tilespmem:v42+s15+$0x0], $0xffff;
	_ =	sdelay $0x4  }
0x142: {  	v12 =	vsel vm10, $0x0, v12;
	v13 =	vsel vm11, $0x0, v13  }
0x143: {  	v12 =	vmul.f32 v12, v6;
	v13 =	vmul.f32 v13, v10  }
0x144: {  	v14 =	vor.u32 v3, v14  }
0x145: {  	v43 =	vor.u32 v3, v15;
	v12 =	vadd.f32 v13, v12;
	_ =	sdelay $0x1  }
0x146: {  	v12 =	vmax.f32 v12, $0.0e+00  }
0x147: {  	[tilespmem:s0+$0x60] =	vst v12  }
0x148: {  	v12 =	vld.idx.msk [tilespmem:v14+s15+$0x0], $0xffff  }
0x149: {  	v13 =	vld.idx.msk [tilespmem:v43+s15+$0x0], $0xffff;
	_ =	sdelay $0x3  }
0x14a: {  	s12 =	sadd.s32 $0x204, s30;
	s13 =	sadd.s32 $0xFFFFFFFE, s1  }
0x14b: {  	s12 =	sand.u32 $0x7C, s12;
	s13 =	sand.u32 $0xFFFFFF80, s13;
	v12 =	vsel vm10, $0x0, v12;
	v13 =	vsel vm11, $0x0, v13  }
0x14c: {  	s12 =	sor.u32 s12, s13;
	v12 =	vmul.f32 v12, v7;
	v13 =	vmul.f32 v13, v11  }
0x14d: {  	v44 =	vmov s12;
	s12 =	sor.u32 $0x1, s12  }
0x14e: {  	v45 =	vmov s12;
	v12 =	vadd.f32 v13, v12;
	_ =	sdelay $0x1  }
0x14f: {  	v12 =	vmax.f32 v12, $0.0e+00  }
0x150: {  	[tilespmem:s0+$0x70] =	vst v12  }
0x151: {  	v12 =	vld.idx.msk [tilespmem:v44+s11+$0x0], $0xffff  }
0x152: {  	v13 =	vld.idx.msk [tilespmem:v45+s11+$0x0], $0xffff;
	_ =	sdelay $0x3  }
0x153: {  	v14 =	vshll.u32 v12, $0x6  }
0x154: {  	s13 =	sadd.s32 $0x200, s2;
	v46 =	vshll.u32 v13, $0x6;
	v14 =	vand.u32 $0x40, v14  }
0x155: {  	v15 =	vand.u32 $0x40, v46;
	v14 =	vor.u32 s13, v14;
	s13 =	sadd.s32 $0x280, s2  }
0x156: {  	v47 =	vor.u32 v0, v14;
	v15 =	vor.u32 s13, v15  }
0x157: {  	v48 =	vor.u32 v0, v15;
	_ =	sdelay $0x3  }
0x158: {  	v16 =	vld.idx.msk [tilespmem:v47+s15+$0x0], $0xffff  }
0x159: {  	v17 =	vld.idx.msk [tilespmem:v48+s15+$0x0], $0xffff;
	_ =	sdelay $0x3  }
0x15a: {  	vm12 =	veq.s32 v12, $0x0;
	vm13 =	veq.s32 v13, $0x0  }
0x15b: {  	v12 =	vsel vm12, $0x0, v16;
	v13 =	vsel vm13, $0x0, v17  }
0x15c: {  	v12 =	vmul.f32 v12, v4;
	v13 =	vmul.f32 v13, v8  }
0x15d: {  	v49 =	vor.u32 v1, v14  }
0x15e: {  	v50 =	vor.u32 v1, v15;
	v12 =	vadd.f32 v13, v12;
	_ =	sdelay $0x1  }
0x15f: {  	v12 =	vmax.f32 v12, $0.0e+00  }
0x160: {  	[tilespmem:s0+$0x80] =	vst v12  }
0x161: {  	v12 =	vld.idx.msk [tilespmem:v49+s15+$0x0], $0xffff  }
0x162: {  	v13 =	vld.idx.msk [tilespmem:v50+s15+$0x0], $0xffff;
	_ =	sdelay $0x4  }
0x163: {  	v12 =	vsel vm12, $0x0, v12;
	v13 =	vsel vm13, $0x0, v13  }
0x164: {  	v12 =	vmul.f32 v12, v5;
	v13 =	vmul.f32 v13, v9  }
0x165: {  	v51 =	vor.u32 v2, v14  }
0x166: {  	v52 =	vor.u32 v2, v15;
	v12 =	vadd.f32 v13, v12;
	_ =	sdelay $0x1  }
0x167: {  	v12 =	vmax.f32 v12, $0.0e+00  }
0x168: {  	[tilespmem:s0+$0x90] =	vst v12  }
0x169: {  	v12 =	vld.idx.msk [tilespmem:v51+s15+$0x0], $0xffff  }
0x16a: {  	v13 =	vld.idx.msk [tilespmem:v52+s15+$0x0], $0xffff;
	_ =	sdelay $0x4  }
0x16b: {  	v12 =	vsel vm12, $0x0, v12;
	v13 =	vsel vm13, $0x0, v13  }
0x16c: {  	v12 =	vmul.f32 v12, v6;
	v13 =	vmul.f32 v13, v10  }
0x16d: {  	v14 =	vor.u32 v3, v14  }
0x16e: {  	v53 =	vor.u32 v3, v15;
	v12 =	vadd.f32 v13, v12;
	_ =	sdelay $0x1  }
0x16f: {  	v12 =	vmax.f32 v12, $0.0e+00  }
0x170: {  	[tilespmem:s0+$0xA0] =	vst v12  }
0x171: {  	v12 =	vld.idx.msk [tilespmem:v14+s15+$0x0], $0xffff  }
0x172: {  	v13 =	vld.idx.msk [tilespmem:v53+s15+$0x0], $0xffff;
	_ =	sdelay $0x3  }
0x173: {  	s13 =	sadd.s32 $0x206, s30  }
0x174: {  	s1 =	sand.u32 $0xFFFFFF80, s1;
	s12 =	sand.u32 $0x7E, s13;
	v12 =	vsel vm12, $0x0, v12;
	v13 =	vsel vm13, $0x0, v13  }
0x175: {  	s1 =	sor.u32 s12, s1;
	v12 =	vmul.f32 v12, v7;
	v13 =	vmul.f32 v13, v11  }
0x176: {  	v54 =	vmov s1;
	s1 =	sor.u32 $0x1, s1  }
0x177: {  	v55 =	vmov s1;
	v12 =	vadd.f32 v13, v12;
	_ =	sdelay $0x1  }
0x178: {  	v12 =	vmax.f32 v12, $0.0e+00  }
0x179: {  	[tilespmem:s0+$0xB0] =	vst v12  }
0x17a: {  	v12 =	vld.idx.msk [tilespmem:v54+s11+$0x0], $0xffff  }
0x17b: {  	v13 =	vld.idx.msk [tilespmem:v55+s11+$0x0], $0xffff;
	_ =	sdelay $0x3  }
0x17c: {  	v14 =	vshll.u32 v12, $0x6  }
0x17d: {  	s12 =	sadd.s32 $0x300, s2;
	v56 =	vshll.u32 v13, $0x6;
	v14 =	vand.u32 $0x40, v14  }
0x17e: {  	s13 =	sadd.s32 $0x380, s2;
	v15 =	vand.u32 $0x40, v56;
	v14 =	vor.u32 s12, v14  }
0x17f: {  	v15 =	vor.u32 s13, v15;
	v57 =	vor.u32 v0, v14  }
0x180: {  	v58 =	vor.u32 v0, v15;
	_ =	sdelay $0x3  }
0x181: {  	v16 =	vld.idx.msk [tilespmem:v57+s15+$0x0], $0xffff  }
0x182: {  	v17 =	vld.idx.msk [tilespmem:v58+s15+$0x0], $0xffff;
	_ =	sdelay $0x3  }
0x183: {  	vm14 =	veq.s32 v12, $0x0;
	vm15 =	veq.s32 v13, $0x0  }
0x184: {  	v12 =	vsel vm14, $0x0, v16;
	v13 =	vsel vm15, $0x0, v17  }
0x185: {  	v12 =	vmul.f32 v12, v4;
	v13 =	vmul.f32 v13, v8  }
0x186: {  	v59 =	vor.u32 v1, v14  }
0x187: {  	v60 =	vor.u32 v1, v15;
	v12 =	vadd.f32 v13, v12;
	_ =	sdelay $0x1  }
0x188: {  	v12 =	vmax.f32 v12, $0.0e+00  }
0x189: {  	[tilespmem:s0+$0xC0] =	vst v12  }
0x18a: {  	v12 =	vld.idx.msk [tilespmem:v59+s15+$0x0], $0xffff  }
0x18b: {  	v13 =	vld.idx.msk [tilespmem:v60+s15+$0x0], $0xffff;
	_ =	sdelay $0x4  }
0x18c: {  	v12 =	vsel vm14, $0x0, v12;
	v13 =	vsel vm15, $0x0, v13  }
0x18d: {  	v12 =	vmul.f32 v12, v5;
	v13 =	vmul.f32 v13, v9  }
0x18e: {  	v61 =	vor.u32 v2, v14  }
0x18f: {  	v62 =	vor.u32 v2, v15;
	v12 =	vadd.f32 v13, v12;
	_ =	sdelay $0x1  }
0x190: {  	v12 =	vmax.f32 v12, $0.0e+00  }
0x191: {  	[tilespmem:s0+$0xD0] =	vst v12  }
0x192: {  	v12 =	vld.idx.msk [tilespmem:v61+s15+$0x0], $0xffff  }
0x193: {  	v13 =	vld.idx.msk [tilespmem:v62+s15+$0x0], $0xffff;
	_ =	sdelay $0x4  }
0x194: {  	v12 =	vsel vm14, $0x0, v12;
	v13 =	vsel vm15, $0x0, v13  }
0x195: {  	v12 =	vmul.f32 v12, v6;
	v13 =	vmul.f32 v13, v10  }
0x196: {  	v14 =	vor.u32 v3, v14  }
0x197: {  	v63 =	vor.u32 v3, v15;
	v12 =	vadd.f32 v13, v12;
	_ =	sdelay $0x1  }
0x198: {  	v12 =	vmax.f32 v12, $0.0e+00  }
0x199: {  	[tilespmem:s0+$0xE0] =	vst v12  }
0x19a: {  	v12 =	vld.idx.msk [tilespmem:v14+s15+$0x0], $0xffff  }
0x19b: {  	v13 =	vld.idx.msk [tilespmem:v63+s15+$0x0], $0xffff;
	_ =	sdelay $0x4  }
0x19c: {  	v12 =	vsel vm14, $0x0, v12;
	v13 =	vsel vm15, $0x0, v13  }
0x19d: {  	p0 =	slt.u32 s29, $0x7E;
	v12 =	vmul.f32 v12, v7;
	v13 =	vmul.f32 v13, v11  }
.Ltmp1:
0x19e: {  	_ = 	snop;
	(pc) =	sbr.rel @p0 .LBB2_4-.Ltmp1, $3  }
0x19f: {  	v12 =	vadd.f32 v13, v12;
	_ =	sdelay $0x1  }
0x1a0: {  	v12 =	vmax.f32 v12, $0.0e+00  }
0x1a1: {  	s31 =	sadd.s32 $0x4, s31;
	s30 =	sadd.s32 $0x8, s30;
	[tilespmem:s0+$0xF0] =	vst v12;
	s0 =	sadd.s32 $0x100, s0  }
0x1a2: {  	s28 =	sadd.s32 $0x1, s28  }
0x1a3: {  	p0 =	sne.s32 s28, s9  }
.Ltmp2:
0x1a4: {  	_ = 	snop;
	(pc) =	sbr.rel @p0 .LBB2_1-.Ltmp2, $4  }
0x1a5: {  	[hbm4b:s8+s3] =	stream.linear.scatter [tilespmem:s26], [sflag:$0x2], $0x8000, $0x38;
	[tilespmem:$0x18980] =	vst v63  }
0x1a6: {  	_ =	swait.ge [sflag:s10], $0x8000  }
0x1a7: {  	[sflag:s10] =	ssyncset.done $0x0  }
0x1a8: {  	[sflag:s10] =	ssyncadd.s32 $0xFFFF8000  }
0x1a9: {  	_ =	sfence.sel $0x180000  }
0x1aa: {  	[bflag:$0x0] =	sbarrier.arrive $0xFFFF  }
0x1ab: {  	_ =	strace $0x90000047  }
0x1ac: {  	s0 =	stileid.u32;
	[bflag:$0x2] =	sbarrier.arrive $0xFFFF  }
0x1ad: {  	p0 =	sne.s32 s0, $0x0;
	s0 =	rddreg [dreg:$0x3]  }
0x1ae: {  	s0 =	sadd.s32 @!p0 $0x100000, s0  }
0x1af: {  	[sflag:s0] =	ssyncadd.tile.s32 @!p0 $0x1;
	_ =	shalt  }
.Lfunc_end2:
_tile_overlayer_lowered:
.L_overlay_start_2:
0x1b0: {  	(tag) =	ssettag $0x2  }
0x1b1: {  	s0 =	rddreg [dreg:$0x0];
	s2 =	stileid.u32  }
0x1b2: {  	s1 =	rddreg [dreg:$0x1];
	p0 =	sne.s32 s2, $0x0  }
0x1b3: {  	s3 =	rddreg [dreg:$0x2];
	[bflag:$0x3] =	sbarrier.arrive $0xFFFF;
	s2 =	simm.s32 @!p0 $0x1C02  }
0x1b4: {  	[timem:s3], [sflag:s2] =	dma.local @!p0 [hbm:s0], s1  }
0x1b5: {  	s0 =	simm.s32 @!p0 $0x2  }
0x1b6: {  	_ =	swait.ge @!p0 [sflag:s0], s1  }
0x1b7: {  	s1 =	ssub.s32 @!p0 $0x0, s1;
	[sflag:s0] =	ssyncset.done @!p0 $0x0  }
0x1b8: {  	[sflag:s0] =	ssyncadd.s32 @!p0 s1  }
0x1b9: {  	[bflag:$0x3] =	sbarrier.arrive $0xFFFF  }
0x1ba: {  	_ =	shalt  }

</sc_bundles>
